<compile_context>
chip_gen: v7x
topology: tpu7x:2x2x1
jax: 0.10.2.dev20260603
libtpu: 0.0.44.dev20260713+nightly
codegen_flags: <defaults>
</compile_context>

<pallas_src>
import functools

import jax
import jax.numpy as jnp
from jax import lax
from jax.experimental import pallas as pl
from jax.experimental.pallas import tpu as pltpu
from jax.experimental.pallas import tpu_sc as plsc

D = 128
_NC, _NS = 2, 16
_NW = _NC * _NS
_CHUNK = 80
_NBUF = 2


def _proj_body(x_ref, wt_ref, b_ref, o_ref):
    o_ref[...] = lax.dot_general(
        x_ref[...], wt_ref[...], (((1,), (1,)), ((), ())),
        preferred_element_type=jnp.float32,
    ) + b_ref[...]


def _project(table, wt, bias, row_block):
    rows = table.shape[0]
    grid = rows // row_block
    return pl.pallas_call(
        _proj_body,
        grid=(grid,),
        in_specs=[
            pl.BlockSpec((row_block, D), lambda i: (i, 0)),
            pl.BlockSpec((D, D), lambda i: (0, 0)),
            pl.BlockSpec((1, D), lambda i: (0, 0)),
        ],
        out_specs=pl.BlockSpec((row_block, D), lambda i: (i, 0)),
        out_shape=jax.ShapeDtypeStruct((rows, D), jnp.float32),
    )(table, wt, bias)


def _gather_add_body(widx_hbm, ridx_hbm, wtab_hbm, rtab_hbm, out_hbm,
                     widx_all, ridx_all, rows_w, rows_r, rows_o,
                     sem_g0, sem_g1, sem_wb0, sem_wb1):
    n = out_hbm.shape[0]
    rpw = n // _NW
    nchunk = rpw // _CHUNK
    wid = lax.axis_index("s") * _NC + lax.axis_index("c")
    base0 = wid * rpw
    sem_g = (sem_g0, sem_g1)
    sem_wb = (sem_wb0, sem_wb1)

    pltpu.sync_copy(widx_hbm.at[pl.ds(base0, rpw)], widx_all)
    pltpu.sync_copy(ridx_hbm.at[pl.ds(base0, rpw)], ridx_all)

    def _issue_gathers(ci, b):
        pltpu.async_copy(wtab_hbm.at[widx_all.at[pl.ds(ci * _CHUNK, _CHUNK)]],
                         rows_w.at[b], sem_g[b])
        pltpu.async_copy(rtab_hbm.at[ridx_all.at[pl.ds(ci * _CHUNK, _CHUNK)]],
                         rows_r.at[b], sem_g[b])

    def _wait_gathers(ci, b):
        pltpu.make_async_copy(
            wtab_hbm.at[widx_all.at[pl.ds(ci * _CHUNK, _CHUNK)]],
            rows_w.at[b], sem_g[b]).wait()
        pltpu.make_async_copy(
            rtab_hbm.at[ridx_all.at[pl.ds(ci * _CHUNK, _CHUNK)]],
            rows_r.at[b], sem_g[b]).wait()

    for b in range(_NBUF):
        _issue_gathers(b, b)

    @pl.loop(0, nchunk, step=_NBUF)
    def _sweep(ci0):
        for b in range(_NBUF):
            ci = ci0 + b
            base = base0 + ci * _CHUNK
            _wait_gathers(ci, b)

            @pl.when(ci >= _NBUF)
            def _():
                pltpu.make_async_copy(
                    rows_o.at[b],
                    out_hbm.at[pl.ds(base - _NBUF * _CHUNK, _CHUNK)],
                    sem_wb[b]).wait()

            @pl.loop(0, _CHUNK)
            def _row(r):
                for g in range(D // 16):
                    sl = pl.ds(g * 16, 16)
                    rows_o[b, r, sl] = rows_w[b, r, sl] + rows_r[b, r, sl]

            pltpu.async_copy(rows_o.at[b], out_hbm.at[pl.ds(base, _CHUNK)],
                             sem_wb[b])

            nxt = ci + _NBUF
            @pl.when(nxt < nchunk)
            def _():
                _issue_gathers(nxt, b)

    for b in range(_NBUF):
        last = nchunk - _NBUF + b
        pltpu.make_async_copy(
            rows_o.at[b], out_hbm.at[pl.ds(base0 + last * _CHUNK, _CHUNK)],
            sem_wb[b]).wait()


def _gather_add(widx, ridx, wtab, rtab):
    n = widx.shape[0]
    rpw = n // _NW
    mesh = plsc.VectorSubcoreMesh(core_axis_name="c", subcore_axis_name="s")
    fn = pl.kernel(
        _gather_add_body,
        out_type=jax.ShapeDtypeStruct((n, D), jnp.float32),
        mesh=mesh,
        scratch_types=[
            pltpu.VMEM((rpw,), jnp.int32),
            pltpu.VMEM((rpw,), jnp.int32),
            pltpu.VMEM((_NBUF, _CHUNK, D), jnp.float32),
            pltpu.VMEM((_NBUF, _CHUNK, D), jnp.float32),
            pltpu.VMEM((_NBUF, _CHUNK, D), jnp.float32),
            pltpu.SemaphoreType.DMA,
            pltpu.SemaphoreType.DMA,
            pltpu.SemaphoreType.DMA,
            pltpu.SemaphoreType.DMA,
        ],
    )
    return fn(widx, ridx, wtab, rtab)


@jax.jit
def kernel(word, remainder, word_table, rem_table, W, b):
    bsz, seq = word.shape
    word_proj = _project(word_table, W[:, :D], jnp.zeros((1, D), jnp.float32),
                         row_block=2000)
    rem_proj = _project(rem_table, W[:, D:], b.reshape(1, D), row_block=512)
    out = _gather_add(word.reshape(-1), remainder.reshape(-1),
                      word_proj, rem_proj)
    return out.reshape(bsz, seq, D)

# --- scband reference (transcript-rebuilt; emitter-appended) ---
"""Pipeline reference for scband-lyric-embedding-59760174956916 (READ-ONLY COPY).

The authoritative reference and input builder live on the scoring server;
editing this copy changes nothing except your own understanding.
"""

import jax, jax.numpy as jnp
import numpy as np

VOCAB = 100000
REM = 512
D = 128
B = 4096
L = 200


def setup_inputs(seed: int = 0) -> dict:
    key = jax.random.key(seed)
    k1, k2, k3, k4, k5 = jax.random.split(key, 5)
    word = jax.random.randint(k1, (B, L), 0, VOCAB, dtype=jnp.int32)
    remainder = jax.random.randint(k2, (B, L), 0, REM, dtype=jnp.int32)
    # tgt_word_emb: Embedding(VOCAB, D, padding_idx=0), init N(0, D^-0.5), row 0 zeroed
    word_table = jax.random.normal(k3, (VOCAB, D), dtype=jnp.float32) * (D ** -0.5)
    word_table = word_table.at[0].set(0.0)
    # rem_emb: Embedding(REM, D, padding_idx=0), same init
    rem_table = jax.random.normal(k4, (REM, D), dtype=jnp.float32) * (D ** -0.5)
    rem_table = rem_table.at[0].set(0.0)
    # token_emb_proj: nn.Linear(2*D, D) -> weight [D, 2D], bias [D]
    W = jax.random.normal(k5, (D, 2 * D), dtype=jnp.float32) * ((2 * D) ** -0.5)
    b = jnp.zeros((D,), dtype=jnp.float32)
    return {"word": word, "remainder": remainder, "word_table": word_table,
            "rem_table": rem_table, "W": W, "b": b}


def reference(word, remainder, word_table, rem_table, W, b):
    # use_cond=True branch of LyricEmbedding.forward
    word_embed = jnp.take(word_table, word, axis=0)        # [B, L, D]
    rem_embed = jnp.take(rem_table, remainder, axis=0)     # [B, L, D]
    embeds = jnp.concatenate([word_embed, rem_embed], axis=-1)  # [B, L, 2D]
    embeds = embeds @ W.T + b                              # nn.Linear(2D, D)
    # note: self.drop_out is defined in __init__ but never applied in forward
    return embeds

if __name__ == "__main__":
    import jax
    _d = setup_inputs()
    print(jax.jit(kernel)(*tuple(_d.values())))

</pallas_src>

<mosaic_0001>
#map = affine_map<(d0, d1) -> (0)>
#map1 = affine_map<(d0, d1) -> (0, 0)>
module attributes {stable_mosaic.version = 14 : i64} {
  func.func @_gather_add_body(%arg0: i32, %arg1: i32, %arg2: memref<819200xi32, #tpu.memory_space<hbm>>, %arg3: memref<819200xi32, #tpu.memory_space<hbm>>, %arg4: memref<100000x128xf32, #tpu.memory_space<hbm>>, %arg5: memref<512x128xf32, #tpu.memory_space<hbm>>, %arg6: memref<819200x128xf32, #tpu.memory_space<hbm>>, %arg7: memref<25600xi32, #tpu.memory_space<vmem>>, %arg8: memref<25600xi32, #tpu.memory_space<vmem>>, %arg9: memref<2x80x128xf32, #tpu.memory_space<vmem>>, %arg10: memref<2x80x128xf32, #tpu.memory_space<vmem>>, %arg11: memref<2x80x128xf32, #tpu.memory_space<vmem>>, %arg12: memref<!tpu.dma_semaphore, #tpu.memory_space<semaphore_mem>>, %arg13: memref<!tpu.dma_semaphore, #tpu.memory_space<semaphore_mem>>, %arg14: memref<!tpu.dma_semaphore, #tpu.memory_space<semaphore_mem>>, %arg15: memref<!tpu.dma_semaphore, #tpu.memory_space<semaphore_mem>>) attributes {dimension_semantics = [#tpu.dimension_semantics<core_parallel>, #tpu.dimension_semantics<subcore_parallel>], iteration_bounds = array<i64: 2, 16>, scalar_prefetch = 0 : i64, scratch_operands = 9 : i64, tpu.core_type = #tpu.core_type<sc_vector_subcore>, window_params = [{transform_indices = #map}, {transform_indices = #map}, {transform_indices = #map1}, {transform_indices = #map1}, {transform_indices = #map1}]} {
    %mul3A = arith.constant 2 : i32
    %mul3A_0 = arith.muli %arg1, %mul3A : i32
    %add3A = arith.addi %mul3A_0, %arg0 : i32
    %mul3A_1 = arith.constant 25600 : i32
    %mul3A_2 = arith.muli %add3A, %mul3A_1 : i32
    "tpu.region"() ({
      %run_scoped3A = tpu.sem_alloc : memref<!tpu.dma_semaphore, #tpu.memory_space<semaphore_mem>>
      %dma_start3A_75 = tpu.memref_slice %arg2[%mul3A_2] : memref<819200xi32, #tpu.memory_space<hbm>> -> memref<25600xi32, #tpu.memory_space<hbm>>
      %dma_start3A_76 = tpu.memref_slice %arg2[%mul3A_2] : memref<819200xi32, #tpu.memory_space<hbm>> -> memref<25600xi32, #tpu.memory_space<hbm>>
      tpu.enqueue_dma source(%dma_start3A_76 : memref<25600xi32, #tpu.memory_space<hbm>>) target(%arg7 : memref<25600xi32, #tpu.memory_space<vmem>>) target_semaphore(%run_scoped3A : memref<!tpu.dma_semaphore, #tpu.memory_space<semaphore_mem>>)
      %dma_wait3A_77 = tpu.memref_slice %arg2[%mul3A_2] : memref<819200xi32, #tpu.memory_space<hbm>> -> memref<25600xi32, #tpu.memory_space<hbm>>
      %dma_wait3A_78 = tpu.memref_slice %arg2[%mul3A_2] : memref<819200xi32, #tpu.memory_space<hbm>> -> memref<25600xi32, #tpu.memory_space<hbm>>
      tpu.wait_dma2 semaphore(%run_scoped3A : memref<!tpu.dma_semaphore, #tpu.memory_space<semaphore_mem>>) src(%dma_wait3A_78 : memref<25600xi32, #tpu.memory_space<hbm>>) dst(%arg7 : memref<25600xi32, #tpu.memory_space<vmem>>)
      tpu.yield
    }) : () -> ()
    "tpu.region"() ({
      %run_scoped3A = tpu.sem_alloc : memref<!tpu.dma_semaphore, #tpu.memory_space<semaphore_mem>>
      %dma_start3A_75 = tpu.memref_slice %arg3[%mul3A_2] : memref<819200xi32, #tpu.memory_space<hbm>> -> memref<25600xi32, #tpu.memory_space<hbm>>
      %dma_start3A_76 = tpu.memref_slice %arg3[%mul3A_2] : memref<819200xi32, #tpu.memory_space<hbm>> -> memref<25600xi32, #tpu.memory_space<hbm>>
      tpu.enqueue_dma source(%dma_start3A_76 : memref<25600xi32, #tpu.memory_space<hbm>>) target(%arg8 : memref<25600xi32, #tpu.memory_space<vmem>>) target_semaphore(%run_scoped3A : memref<!tpu.dma_semaphore, #tpu.memory_space<semaphore_mem>>)
      %dma_wait3A_77 = tpu.memref_slice %arg3[%mul3A_2] : memref<819200xi32, #tpu.memory_space<hbm>> -> memref<25600xi32, #tpu.memory_space<hbm>>
      %dma_wait3A_78 = tpu.memref_slice %arg3[%mul3A_2] : memref<819200xi32, #tpu.memory_space<hbm>> -> memref<25600xi32, #tpu.memory_space<hbm>>
      tpu.wait_dma2 semaphore(%run_scoped3A : memref<!tpu.dma_semaphore, #tpu.memory_space<semaphore_mem>>) src(%dma_wait3A_78 : memref<25600xi32, #tpu.memory_space<hbm>>) dst(%arg8 : memref<25600xi32, #tpu.memory_space<vmem>>)
      tpu.yield
    }) : () -> ()
    %dma_start3A = arith.constant 0 : i32
    %dma_start3A_3 = arith.constant 0 : i32
    %dma_start3A_4 = arith.constant 0 : i32
    %dma_start3A_5 = tpu.memref_slice %arg9[%dma_start3A, %dma_start3A_3, %dma_start3A_4] : memref<2x80x128xf32, #tpu.memory_space<vmem>> -> memref<1x80x128xf32, #tpu.memory_space<vmem>>
    %dma_start3A_6 = tpu.memref_squeeze %dma_start3A_5 : memref<1x80x128xf32, #tpu.memory_space<vmem>> -> memref<80x128xf32, #tpu.memory_space<vmem>>
    %dma_start3A_7 = arith.constant 0 : i32
    %dma_start3A_8 = tpu.memref_slice %arg7[%dma_start3A_7] : memref<25600xi32, #tpu.memory_space<vmem>> -> memref<80xi32, #tpu.memory_space<vmem>>
    %dma_start3A_9 = arith.constant 0 : i32
    %dma_start3A_10 = arith.constant 0 : i32
    %dma_start3A_11 = tpu.memref_slice %arg4[%dma_start3A_9, %dma_start3A_10] : memref<100000x128xf32, #tpu.memory_space<hbm>> -> memref<100000x128xf32, #tpu.memory_space<hbm>>
    tpu.enqueue_indirect_dma source(%dma_start3A_11 : memref<100000x128xf32, #tpu.memory_space<hbm>>) target(%dma_start3A_6 : memref<80x128xf32, #tpu.memory_space<vmem>>) offsets(%dma_start3A_8 : memref<80xi32, #tpu.memory_space<vmem>>) semaphore(%arg12 : memref<!tpu.dma_semaphore, #tpu.memory_space<semaphore_mem>>)
    %dma_start3A_12 = arith.constant 0 : i32
    %dma_start3A_13 = arith.constant 0 : i32
    %dma_start3A_14 = arith.constant 0 : i32
    %dma_start3A_15 = tpu.memref_slice %arg10[%dma_start3A_12, %dma_start3A_13, %dma_start3A_14] : memref<2x80x128xf32, #tpu.memory_space<vmem>> -> memref<1x80x128xf32, #tpu.memory_space<vmem>>
    %dma_start3A_16 = tpu.memref_squeeze %dma_start3A_15 : memref<1x80x128xf32, #tpu.memory_space<vmem>> -> memref<80x128xf32, #tpu.memory_space<vmem>>
    %dma_start3A_17 = arith.constant 0 : i32
    %dma_start3A_18 = tpu.memref_slice %arg8[%dma_start3A_17] : memref<25600xi32, #tpu.memory_space<vmem>> -> memref<80xi32, #tpu.memory_space<vmem>>
    %dma_start3A_19 = arith.constant 0 : i32
    %dma_start3A_20 = arith.constant 0 : i32
    %dma_start3A_21 = tpu.memref_slice %arg5[%dma_start3A_19, %dma_start3A_20] : memref<512x128xf32, #tpu.memory_space<hbm>> -> memref<512x128xf32, #tpu.memory_space<hbm>>
    tpu.enqueue_indirect_dma source(%dma_start3A_21 : memref<512x128xf32, #tpu.memory_space<hbm>>) target(%dma_start3A_16 : memref<80x128xf32, #tpu.memory_space<vmem>>) offsets(%dma_start3A_18 : memref<80xi32, #tpu.memory_space<vmem>>) semaphore(%arg12 : memref<!tpu.dma_semaphore, #tpu.memory_space<semaphore_mem>>)
    %dma_start3A_22 = arith.constant 1 : i32
    %dma_start3A_23 = arith.constant 0 : i32
    %dma_start3A_24 = arith.constant 0 : i32
    %dma_start3A_25 = tpu.memref_slice %arg9[%dma_start3A_22, %dma_start3A_23, %dma_start3A_24] : memref<2x80x128xf32, #tpu.memory_space<vmem>> -> memref<1x80x128xf32, #tpu.memory_space<vmem>>
    %dma_start3A_26 = tpu.memref_squeeze %dma_start3A_25 : memref<1x80x128xf32, #tpu.memory_space<vmem>> -> memref<80x128xf32, #tpu.memory_space<vmem>>
    %dma_start3A_27 = arith.constant 80 : i32
    %dma_start3A_28 = tpu.memref_slice %arg7[%dma_start3A_27] : memref<25600xi32, #tpu.memory_space<vmem>> -> memref<80xi32, #tpu.memory_space<vmem>>
    %dma_start3A_29 = arith.constant 0 : i32
    %dma_start3A_30 = arith.constant 0 : i32
    %dma_start3A_31 = tpu.memref_slice %arg4[%dma_start3A_29, %dma_start3A_30] : memref<100000x128xf32, #tpu.memory_space<hbm>> -> memref<100000x128xf32, #tpu.memory_space<hbm>>
    tpu.enqueue_indirect_dma source(%dma_start3A_31 : memref<100000x128xf32, #tpu.memory_space<hbm>>) target(%dma_start3A_26 : memref<80x128xf32, #tpu.memory_space<vmem>>) offsets(%dma_start3A_28 : memref<80xi32, #tpu.memory_space<vmem>>) semaphore(%arg13 : memref<!tpu.dma_semaphore, #tpu.memory_space<semaphore_mem>>)
    %dma_start3A_32 = arith.constant 1 : i32
    %dma_start3A_33 = arith.constant 0 : i32
    %dma_start3A_34 = arith.constant 0 : i32
    %dma_start3A_35 = tpu.memref_slice %arg10[%dma_start3A_32, %dma_start3A_33, %dma_start3A_34] : memref<2x80x128xf32, #tpu.memory_space<vmem>> -> memref<1x80x128xf32, #tpu.memory_space<vmem>>
    %dma_start3A_36 = tpu.memref_squeeze %dma_start3A_35 : memref<1x80x128xf32, #tpu.memory_space<vmem>> -> memref<80x128xf32, #tpu.memory_space<vmem>>
    %dma_start3A_37 = arith.constant 80 : i32
    %dma_start3A_38 = tpu.memref_slice %arg8[%dma_start3A_37] : memref<25600xi32, #tpu.memory_space<vmem>> -> memref<80xi32, #tpu.memory_space<vmem>>
    %dma_start3A_39 = arith.constant 0 : i32
    %dma_start3A_40 = arith.constant 0 : i32
    %dma_start3A_41 = tpu.memref_slice %arg5[%dma_start3A_39, %dma_start3A_40] : memref<512x128xf32, #tpu.memory_space<hbm>> -> memref<512x128xf32, #tpu.memory_space<hbm>>
    tpu.enqueue_indirect_dma source(%dma_start3A_41 : memref<512x128xf32, #tpu.memory_space<hbm>>) target(%dma_start3A_36 : memref<80x128xf32, #tpu.memory_space<vmem>>) offsets(%dma_start3A_38 : memref<80xi32, #tpu.memory_space<vmem>>) semaphore(%arg13 : memref<!tpu.dma_semaphore, #tpu.memory_space<semaphore_mem>>)
    %scan3A = arith.constant 0 : i32
    %scan3A_42 = arith.constant 160 : i32
    %scan3A_43 = arith.addi %scan3A, %scan3A_42 : i32
    %scan3A_44 = arith.constant 1 : i32
    scf.for %scan3A_75 = %scan3A to %scan3A_43 step %scan3A_44  : i32 {
      %mul3A_76 = arith.constant 2 : i32
      %mul3A_77 = arith.muli %scan3A_75, %mul3A_76 : i32
      %add3A_78 = arith.constant 0 : i32
      %add3A_79 = arith.addi %add3A_78, %mul3A_77 : i32
      %add3A_80 = arith.constant 0 : i32
      %add3A_81 = arith.addi %add3A_79, %add3A_80 : i32
      %mul3A_82 = arith.constant 80 : i32
      %mul3A_83 = arith.muli %add3A_81, %mul3A_82 : i32
      %add3A_84 = arith.addi %mul3A_2, %mul3A_83 : i32
      %mul3A_85 = arith.constant 80 : i32
      %mul3A_86 = arith.muli %add3A_81, %mul3A_85 : i32
      %dma_wait3A_87 = arith.constant 0 : i32
      %dma_wait3A_88 = arith.constant 0 : i32
      %dma_wait3A_89 = arith.constant 0 : i32
      %dma_wait3A_90 = tpu.memref_slice %arg9[%dma_wait3A_87, %dma_wait3A_88, %dma_wait3A_89] : memref<2x80x128xf32, #tpu.memory_space<vmem>> -> memref<1x80x128xf32, #tpu.memory_space<vmem>>
      %dma_wait3A_91 = tpu.memref_squeeze %dma_wait3A_90 : memref<1x80x128xf32, #tpu.memory_space<vmem>> -> memref<80x128xf32, #tpu.memory_space<vmem>>
      %dma_wait3A_92 = tpu.memref_slice %arg7[%mul3A_86] : memref<25600xi32, #tpu.memory_space<vmem>> -> memref<80xi32, #tpu.memory_space<vmem>>
      %dma_wait3A_93 = arith.constant 0 : i32
      %dma_wait3A_94 = arith.constant 0 : i32
      %dma_wait3A_95 = tpu.memref_slice %arg4[%dma_wait3A_93, %dma_wait3A_94] : memref<100000x128xf32, #tpu.memory_space<hbm>> -> memref<100000x128xf32, #tpu.memory_space<hbm>>
      tpu.wait_indirect_dma semaphore(%arg12 : memref<!tpu.dma_semaphore, #tpu.memory_space<semaphore_mem>>) src(%dma_wait3A_95 : memref<100000x128xf32, #tpu.memory_space<hbm>>) dst(%dma_wait3A_91 : memref<80x128xf32, #tpu.memory_space<vmem>>)
      %mul3A_96 = arith.constant 80 : i32
      %mul3A_97 = arith.muli %add3A_81, %mul3A_96 : i32
      %dma_wait3A_98 = arith.constant 0 : i32
      %dma_wait3A_99 = arith.constant 0 : i32
      %dma_wait3A_100 = arith.constant 0 : i32
      %dma_wait3A_101 = tpu.memref_slice %arg10[%dma_wait3A_98, %dma_wait3A_99, %dma_wait3A_100] : memref<2x80x128xf32, #tpu.memory_space<vmem>> -> memref<1x80x128xf32, #tpu.memory_space<vmem>>
      %dma_wait3A_102 = tpu.memref_squeeze %dma_wait3A_101 : memref<1x80x128xf32, #tpu.memory_space<vmem>> -> memref<80x128xf32, #tpu.memory_space<vmem>>
      %dma_wait3A_103 = tpu.memref_slice %arg8[%mul3A_97] : memref<25600xi32, #tpu.memory_space<vmem>> -> memref<80xi32, #tpu.memory_space<vmem>>
      %dma_wait3A_104 = arith.constant 0 : i32
      %dma_wait3A_105 = arith.constant 0 : i32
      %dma_wait3A_106 = tpu.memref_slice %arg5[%dma_wait3A_104, %dma_wait3A_105] : memref<512x128xf32, #tpu.memory_space<hbm>> -> memref<512x128xf32, #tpu.memory_space<hbm>>
      tpu.wait_indirect_dma semaphore(%arg12 : memref<!tpu.dma_semaphore, #tpu.memory_space<semaphore_mem>>) src(%dma_wait3A_106 : memref<512x128xf32, #tpu.memory_space<hbm>>) dst(%dma_wait3A_102 : memref<80x128xf32, #tpu.memory_space<vmem>>)
      %ge3A = arith.constant 2 : i32
      %ge3A_107 = arith.cmpi sge, %add3A_81, %ge3A : i32
      %convert_element_type3A = arith.extui %ge3A_107 : i1 to i32
      %cond3A = arith.constant 0 : i32
      %cond3A_108 = arith.cmpi ne, %convert_element_type3A, %cond3A : i32
      scf.if %cond3A_108 {
        %sub3A = arith.constant 160 : i32
        %sub3A_190 = arith.subi %add3A_84, %sub3A : i32
        %dma_wait3A_191 = arith.constant 0 : i32
        %dma_wait3A_192 = arith.constant 0 : i32
        %dma_wait3A_193 = arith.constant 0 : i32
        %dma_wait3A_194 = tpu.memref_slice %arg11[%dma_wait3A_191, %dma_wait3A_192, %dma_wait3A_193] : memref<2x80x128xf32, #tpu.memory_space<vmem>> -> memref<1x80x128xf32, #tpu.memory_space<vmem>>
        %dma_wait3A_195 = tpu.memref_squeeze %dma_wait3A_194 : memref<1x80x128xf32, #tpu.memory_space<vmem>> -> memref<80x128xf32, #tpu.memory_space<vmem>>
        %dma_wait3A_196 = arith.constant 0 : i32
        %dma_wait3A_197 = tpu.memref_slice %arg6[%sub3A_190, %dma_wait3A_196] : memref<819200x128xf32, #tpu.memory_space<hbm>> -> memref<80x128xf32, #tpu.memory_space<hbm>>
        %dma_wait3A_198 = arith.constant 0 : i32
        %dma_wait3A_199 = tpu.memref_slice %arg6[%sub3A_190, %dma_wait3A_198] : memref<819200x128xf32, #tpu.memory_space<hbm>> -> memref<80x128xf32, #tpu.memory_space<hbm>>
        %dma_wait3A_200 = arith.constant 0 : i32
        %dma_wait3A_201 = arith.constant 0 : i32
        %dma_wait3A_202 = tpu.memref_slice %arg11[%dma_wait3A_191, %dma_wait3A_200, %dma_wait3A_201] : memref<2x80x128xf32, #tpu.memory_space<vmem>> -> memref<1x80x128xf32, #tpu.memory_space<vmem>>
        %dma_wait3A_203 = tpu.memref_squeeze %dma_wait3A_202 : memref<1x80x128xf32, #tpu.memory_space<vmem>> -> memref<80x128xf32, #tpu.memory_space<vmem>>
        tpu.wait_dma2 semaphore(%arg14 : memref<!tpu.dma_semaphore, #tpu.memory_space<semaphore_mem>>) src(%dma_wait3A_203 : memref<80x128xf32, #tpu.memory_space<vmem>>) dst(%dma_wait3A_199 : memref<80x128xf32, #tpu.memory_space<hbm>>)
      } else {
      }
      %scan3A_109 = arith.constant 0 : i32
      %scan3A_110 = arith.constant 80 : i32
      %scan3A_111 = arith.addi %scan3A_109, %scan3A_110 : i32
      %scan3A_112 = arith.constant 1 : i32
      scf.for %scan3A_190 = %scan3A_109 to %scan3A_111 step %scan3A_112  : i32 {
        %mul3A_191 = arith.constant 1 : i32
        %mul3A_192 = arith.muli %scan3A_190, %mul3A_191 : i32
        %add3A_193 = arith.constant 0 : i32
        %add3A_194 = arith.addi %add3A_193, %mul3A_192 : i32
        %get3A = arith.constant 0 : i32
        %get3A_195 = arith.index_cast %get3A : i32 to index
        %get3A_196 = arith.index_cast %add3A_194 : i32 to index
        %get3A_197 = arith.constant 0 : index
        %get3A_198 = tpu.vector_load %arg9[%get3A_195, %get3A_196, %get3A_197] {strides = array<i32>} : memref<2x80x128xf32, #tpu.memory_space<vmem>>, vector<1x1x16xf32>,
        %get3A_199 = vector.shape_cast %get3A_198 : vector<1x1x16xf32> to vector<16xf32>
        %get3A_200 = arith.constant 0 : i32
        %get3A_201 = arith.index_cast %get3A_200 : i32 to index
        %get3A_202 = arith.index_cast %add3A_194 : i32 to index
        %get3A_203 = arith.constant 0 : index
        %get3A_204 = tpu.vector_load %arg10[%get3A_201, %get3A_202, %get3A_203] {strides = array<i32>} : memref<2x80x128xf32, #tpu.memory_space<vmem>>, vector<1x1x16xf32>,
        %get3A_205 = vector.shape_cast %get3A_204 : vector<1x1x16xf32> to vector<16xf32>
        %add3A_206 = arith.addf %get3A_199, %get3A_205 : vector<16xf32>
        %swap3A = arith.constant 0 : i32
        %swap3A_207 = arith.index_cast %swap3A : i32 to index
        %swap3A_208 = arith.index_cast %add3A_194 : i32 to index
        %swap3A_209 = arith.constant 0 : index
        %swap3A_210 = tpu.vector_load %arg11[%swap3A_207, %swap3A_208, %swap3A_209] {strides = array<i32>} : memref<2x80x128xf32, #tpu.memory_space<vmem>>, vector<1x1x16xf32>,
        %swap3A_211 = vector.shape_cast %swap3A_210 : vector<1x1x16xf32> to vector<16xf32>
        %swap3A_212 = vector.shape_cast %add3A_206 : vector<16xf32> to vector<1x1x16xf32>
        tpu.vector_store %arg11[%swap3A_207, %swap3A_208, %swap3A_209], %swap3A_212 {strides = array<i32>} : memref<2x80x128xf32, #tpu.memory_space<vmem>>, vector<1x1x16xf32>,
        %get3A_213 = arith.constant 0 : i32
        %get3A_214 = arith.index_cast %get3A_213 : i32 to index
        %get3A_215 = arith.index_cast %add3A_194 : i32 to index
        %get3A_216 = arith.constant 16 : index
        %get3A_217 = tpu.vector_load %arg9[%get3A_214, %get3A_215, %get3A_216] {strides = array<i32>} : memref<2x80x128xf32, #tpu.memory_space<vmem>>, vector<1x1x16xf32>,
        %get3A_218 = vector.shape_cast %get3A_217 : vector<1x1x16xf32> to vector<16xf32>
        %get3A_219 = arith.constant 0 : i32
        %get3A_220 = arith.index_cast %get3A_219 : i32 to index
        %get3A_221 = arith.index_cast %add3A_194 : i32 to index
        %get3A_222 = arith.constant 16 : index
        %get3A_223 = tpu.vector_load %arg10[%get3A_220, %get3A_221, %get3A_222] {strides = array<i32>} : memref<2x80x128xf32, #tpu.memory_space<vmem>>, vector<1x1x16xf32>,
        %get3A_224 = vector.shape_cast %get3A_223 : vector<1x1x16xf32> to vector<16xf32>
        %add3A_225 = arith.addf %get3A_218, %get3A_224 : vector<16xf32>
        %swap3A_226 = arith.constant 0 : i32
        %swap3A_227 = arith.index_cast %swap3A_226 : i32 to index
        %swap3A_228 = arith.index_cast %add3A_194 : i32 to index
        %swap3A_229 = arith.constant 16 : index
        %swap3A_230 = tpu.vector_load %arg11[%swap3A_227, %swap3A_228, %swap3A_229] {strides = array<i32>} : memref<2x80x128xf32, #tpu.memory_space<vmem>>, vector<1x1x16xf32>,
        %swap3A_231 = vector.shape_cast %swap3A_230 : vector<1x1x16xf32> to vector<16xf32>
        %swap3A_232 = vector.shape_cast %add3A_225 : vector<16xf32> to vector<1x1x16xf32>
        tpu.vector_store %arg11[%swap3A_227, %swap3A_228, %swap3A_229], %swap3A_232 {strides = array<i32>} : memref<2x80x128xf32, #tpu.memory_space<vmem>>, vector<1x1x16xf32>,
        %get3A_233 = arith.constant 0 : i32
        %get3A_234 = arith.index_cast %get3A_233 : i32 to index
        %get3A_235 = arith.index_cast %add3A_194 : i32 to index
        %get3A_236 = arith.constant 32 : index
        %get3A_237 = tpu.vector_load %arg9[%get3A_234, %get3A_235, %get3A_236] {strides = array<i32>} : memref<2x80x128xf32, #tpu.memory_space<vmem>>, vector<1x1x16xf32>,
        %get3A_238 = vector.shape_cast %get3A_237 : vector<1x1x16xf32> to vector<16xf32>
        %get3A_239 = arith.constant 0 : i32
        %get3A_240 = arith.index_cast %get3A_239 : i32 to index
        %get3A_241 = arith.index_cast %add3A_194 : i32 to index
        %get3A_242 = arith.constant 32 : index
        %get3A_243 = tpu.vector_load %arg10[%get3A_240, %get3A_241, %get3A_242] {strides = array<i32>} : memref<2x80x128xf32, #tpu.memory_space<vmem>>, vector<1x1x16xf32>,
        %get3A_244 = vector.shape_cast %get3A_243 : vector<1x1x16xf32> to vector<16xf32>
        %add3A_245 = arith.addf %get3A_238, %get3A_244 : vector<16xf32>
        %swap3A_246 = arith.constant 0 : i32
        %swap3A_247 = arith.index_cast %swap3A_246 : i32 to index
        %swap3A_248 = arith.index_cast %add3A_194 : i32 to index
        %swap3A_249 = arith.constant 32 : index
        %swap3A_250 = tpu.vector_load %arg11[%swap3A_247, %swap3A_248, %swap3A_249] {strides = array<i32>} : memref<2x80x128xf32, #tpu.memory_space<vmem>>, vector<1x1x16xf32>,
        %swap3A_251 = vector.shape_cast %swap3A_250 : vector<1x1x16xf32> to vector<16xf32>
        %swap3A_252 = vector.shape_cast %add3A_245 : vector<16xf32> to vector<1x1x16xf32>
        tpu.vector_store %arg11[%swap3A_247, %swap3A_248, %swap3A_249], %swap3A_252 {strides = array<i32>} : memref<2x80x128xf32, #tpu.memory_space<vmem>>, vector<1x1x16xf32>,
        %get3A_253 = arith.constant 0 : i32
        %get3A_254 = arith.index_cast %get3A_253 : i32 to index
        %get3A_255 = arith.index_cast %add3A_194 : i32 to index
        %get3A_256 = arith.constant 48 : index
        %get3A_257 = tpu.vector_load %arg9[%get3A_254, %get3A_255, %get3A_256] {strides = array<i32>} : memref<2x80x128xf32, #tpu.memory_space<vmem>>, vector<1x1x16xf32>,
        %get3A_258 = vector.shape_cast %get3A_257 : vector<1x1x16xf32> to vector<16xf32>
        %get3A_259 = arith.constant 0 : i32
        %get3A_260 = arith.index_cast %get3A_259 : i32 to index
        %get3A_261 = arith.index_cast %add3A_194 : i32 to index
        %get3A_262 = arith.constant 48 : index
        %get3A_263 = tpu.vector_load %arg10[%get3A_260, %get3A_261, %get3A_262] {strides = array<i32>} : memref<2x80x128xf32, #tpu.memory_space<vmem>>, vector<1x1x16xf32>,
        %get3A_264 = vector.shape_cast %get3A_263 : vector<1x1x16xf32> to vector<16xf32>
        %add3A_265 = arith.addf %get3A_258, %get3A_264 : vector<16xf32>
        %swap3A_266 = arith.constant 0 : i32
        %swap3A_267 = arith.index_cast %swap3A_266 : i32 to index
        %swap3A_268 = arith.index_cast %add3A_194 : i32 to index
        %swap3A_269 = arith.constant 48 : index
        %swap3A_270 = tpu.vector_load %arg11[%swap3A_267, %swap3A_268, %swap3A_269] {strides = array<i32>} : memref<2x80x128xf32, #tpu.memory_space<vmem>>, vector<1x1x16xf32>,
        %swap3A_271 = vector.shape_cast %swap3A_270 : vector<1x1x16xf32> to vector<16xf32>
        %swap3A_272 = vector.shape_cast %add3A_265 : vector<16xf32> to vector<1x1x16xf32>
        tpu.vector_store %arg11[%swap3A_267, %swap3A_268, %swap3A_269], %swap3A_272 {strides = array<i32>} : memref<2x80x128xf32, #tpu.memory_space<vmem>>, vector<1x1x16xf32>,
        %get3A_273 = arith.constant 0 : i32
        %get3A_274 = arith.index_cast %get3A_273 : i32 to index
        %get3A_275 = arith.index_cast %add3A_194 : i32 to index
        %get3A_276 = arith.constant 64 : index
        %get3A_277 = tpu.vector_load %arg9[%get3A_274, %get3A_275, %get3A_276] {strides = array<i32>} : memref<2x80x128xf32, #tpu.memory_space<vmem>>, vector<1x1x16xf32>,
        %get3A_278 = vector.shape_cast %get3A_277 : vector<1x1x16xf32> to vector<16xf32>
        %get3A_279 = arith.constant 0 : i32
        %get3A_280 = arith.index_cast %get3A_279 : i32 to index
        %get3A_281 = arith.index_cast %add3A_194 : i32 to index
        %get3A_282 = arith.constant 64 : index
        %get3A_283 = tpu.vector_load %arg10[%get3A_280, %get3A_281, %get3A_282] {strides = array<i32>} : memref<2x80x128xf32, #tpu.memory_space<vmem>>, vector<1x1x16xf32>,
        %get3A_284 = vector.shape_cast %get3A_283 : vector<1x1x16xf32> to vector<16xf32>
        %add3A_285 = arith.addf %get3A_278, %get3A_284 : vector<16xf32>
        %swap3A_286 = arith.constant 0 : i32
        %swap3A_287 = arith.index_cast %swap3A_286 : i32 to index
        %swap3A_288 = arith.index_cast %add3A_194 : i32 to index
        %swap3A_289 = arith.constant 64 : index
        %swap3A_290 = tpu.vector_load %arg11[%swap3A_287, %swap3A_288, %swap3A_289] {strides = array<i32>} : memref<2x80x128xf32, #tpu.memory_space<vmem>>, vector<1x1x16xf32>,
        %swap3A_291 = vector.shape_cast %swap3A_290 : vector<1x1x16xf32> to vector<16xf32>
        %swap3A_292 = vector.shape_cast %add3A_285 : vector<16xf32> to vector<1x1x16xf32>
        tpu.vector_store %arg11[%swap3A_287, %swap3A_288, %swap3A_289], %swap3A_292 {strides = array<i32>} : memref<2x80x128xf32, #tpu.memory_space<vmem>>, vector<1x1x16xf32>,
        %get3A_293 = arith.constant 0 : i32
        %get3A_294 = arith.index_cast %get3A_293 : i32 to index
        %get3A_295 = arith.index_cast %add3A_194 : i32 to index
        %get3A_296 = arith.constant 80 : index
        %get3A_297 = tpu.vector_load %arg9[%get3A_294, %get3A_295, %get3A_296] {strides = array<i32>} : memref<2x80x128xf32, #tpu.memory_space<vmem>>, vector<1x1x16xf32>,
        %get3A_298 = vector.shape_cast %get3A_297 : vector<1x1x16xf32> to vector<16xf32>
        %get3A_299 = arith.constant 0 : i32
        %get3A_300 = arith.index_cast %get3A_299 : i32 to index
        %get3A_301 = arith.index_cast %add3A_194 : i32 to index
        %get3A_302 = arith.constant 80 : index
        %get3A_303 = tpu.vector_load %arg10[%get3A_300, %get3A_301, %get3A_302] {strides = array<i32>} : memref<2x80x128xf32, #tpu.memory_space<vmem>>, vector<1x1x16xf32>,
        %get3A_304 = vector.shape_cast %get3A_303 : vector<1x1x16xf32> to vector<16xf32>
        %add3A_305 = arith.addf %get3A_298, %get3A_304 : vector<16xf32>
        %swap3A_306 = arith.constant 0 : i32
        %swap3A_307 = arith.index_cast %swap3A_306 : i32 to index
        %swap3A_308 = arith.index_cast %add3A_194 : i32 to index
        %swap3A_309 = arith.constant 80 : index
        %swap3A_310 = tpu.vector_load %arg11[%swap3A_307, %swap3A_308, %swap3A_309] {strides = array<i32>} : memref<2x80x128xf32, #tpu.memory_space<vmem>>, vector<1x1x16xf32>,
        %swap3A_311 = vector.shape_cast %swap3A_310 : vector<1x1x16xf32> to vector<16xf32>
        %swap3A_312 = vector.shape_cast %add3A_305 : vector<16xf32> to vector<1x1x16xf32>
        tpu.vector_store %arg11[%swap3A_307, %swap3A_308, %swap3A_309], %swap3A_312 {strides = array<i32>} : memref<2x80x128xf32, #tpu.memory_space<vmem>>, vector<1x1x16xf32>,
        %get3A_313 = arith.constant 0 : i32
        %get3A_314 = arith.index_cast %get3A_313 : i32 to index
        %get3A_315 = arith.index_cast %add3A_194 : i32 to index
        %get3A_316 = arith.constant 96 : index
        %get3A_317 = tpu.vector_load %arg9[%get3A_314, %get3A_315, %get3A_316] {strides = array<i32>} : memref<2x80x128xf32, #tpu.memory_space<vmem>>, vector<1x1x16xf32>,
        %get3A_318 = vector.shape_cast %get3A_317 : vector<1x1x16xf32> to vector<16xf32>
        %get3A_319 = arith.constant 0 : i32
        %get3A_320 = arith.index_cast %get3A_319 : i32 to index
        %get3A_321 = arith.index_cast %add3A_194 : i32 to index
        %get3A_322 = arith.constant 96 : index
        %get3A_323 = tpu.vector_load %arg10[%get3A_320, %get3A_321, %get3A_322] {strides = array<i32>} : memref<2x80x128xf32, #tpu.memory_space<vmem>>, vector<1x1x16xf32>,
        %get3A_324 = vector.shape_cast %get3A_323 : vector<1x1x16xf32> to vector<16xf32>
        %add3A_325 = arith.addf %get3A_318, %get3A_324 : vector<16xf32>
        %swap3A_326 = arith.constant 0 : i32
        %swap3A_327 = arith.index_cast %swap3A_326 : i32 to index
        %swap3A_328 = arith.index_cast %add3A_194 : i32 to index
        %swap3A_329 = arith.constant 96 : index
        %swap3A_330 = tpu.vector_load %arg11[%swap3A_327, %swap3A_328, %swap3A_329] {strides = array<i32>} : memref<2x80x128xf32, #tpu.memory_space<vmem>>, vector<1x1x16xf32>,
        %swap3A_331 = vector.shape_cast %swap3A_330 : vector<1x1x16xf32> to vector<16xf32>
        %swap3A_332 = vector.shape_cast %add3A_325 : vector<16xf32> to vector<1x1x16xf32>
        tpu.vector_store %arg11[%swap3A_327, %swap3A_328, %swap3A_329], %swap3A_332 {strides = array<i32>} : memref<2x80x128xf32, #tpu.memory_space<vmem>>, vector<1x1x16xf32>,
        %get3A_333 = arith.constant 0 : i32
        %get3A_334 = arith.index_cast %get3A_333 : i32 to index
        %get3A_335 = arith.index_cast %add3A_194 : i32 to index
        %get3A_336 = arith.constant 112 : index
        %get3A_337 = tpu.vector_load %arg9[%get3A_334, %get3A_335, %get3A_336] {strides = array<i32>} : memref<2x80x128xf32, #tpu.memory_space<vmem>>, vector<1x1x16xf32>,
        %get3A_338 = vector.shape_cast %get3A_337 : vector<1x1x16xf32> to vector<16xf32>
        %get3A_339 = arith.constant 0 : i32
        %get3A_340 = arith.index_cast %get3A_339 : i32 to index
        %get3A_341 = arith.index_cast %add3A_194 : i32 to index
        %get3A_342 = arith.constant 112 : index
        %get3A_343 = tpu.vector_load %arg10[%get3A_340, %get3A_341, %get3A_342] {strides = array<i32>} : memref<2x80x128xf32, #tpu.memory_space<vmem>>, vector<1x1x16xf32>,
        %get3A_344 = vector.shape_cast %get3A_343 : vector<1x1x16xf32> to vector<16xf32>
        %add3A_345 = arith.addf %get3A_338, %get3A_344 : vector<16xf32>
        %swap3A_346 = arith.constant 0 : i32
        %swap3A_347 = arith.index_cast %swap3A_346 : i32 to index
        %swap3A_348 = arith.index_cast %add3A_194 : i32 to index
        %swap3A_349 = arith.constant 112 : index
        %swap3A_350 = tpu.vector_load %arg11[%swap3A_347, %swap3A_348, %swap3A_349] {strides = array<i32>} : memref<2x80x128xf32, #tpu.memory_space<vmem>>, vector<1x1x16xf32>,
        %swap3A_351 = vector.shape_cast %swap3A_350 : vector<1x1x16xf32> to vector<16xf32>
        %swap3A_352 = vector.shape_cast %add3A_345 : vector<16xf32> to vector<1x1x16xf32>
        tpu.vector_store %arg11[%swap3A_347, %swap3A_348, %swap3A_349], %swap3A_352 {strides = array<i32>} : memref<2x80x128xf32, #tpu.memory_space<vmem>>, vector<1x1x16xf32>,
      }
      %scan3A_113 = arith.constant 80 : i32
      %dma_start3A_114 = arith.constant 0 : i32
      %dma_start3A_115 = arith.constant 0 : i32
      %dma_start3A_116 = arith.constant 0 : i32
      %dma_start3A_117 = tpu.memref_slice %arg11[%dma_start3A_114, %dma_start3A_115, %dma_start3A_116] : memref<2x80x128xf32, #tpu.memory_space<vmem>> -> memref<1x80x128xf32, #tpu.memory_space<vmem>>
      %dma_start3A_118 = tpu.memref_squeeze %dma_start3A_117 : memref<1x80x128xf32, #tpu.memory_space<vmem>> -> memref<80x128xf32, #tpu.memory_space<vmem>>
      %dma_start3A_119 = arith.constant 0 : i32
      %dma_start3A_120 = tpu.memref_slice %arg6[%add3A_84, %dma_start3A_119] : memref<819200x128xf32, #tpu.memory_space<hbm>> -> memref<80x128xf32, #tpu.memory_space<hbm>>
      %dma_start3A_121 = arith.constant 0 : i32
      %dma_start3A_122 = tpu.memref_slice %arg6[%add3A_84, %dma_start3A_121] : memref<819200x128xf32, #tpu.memory_space<hbm>> -> memref<80x128xf32, #tpu.memory_space<hbm>>
      %dma_start3A_123 = arith.constant 0 : i32
      %dma_start3A_124 = arith.constant 0 : i32
      %dma_start3A_125 = tpu.memref_slice %arg11[%dma_start3A_114, %dma_start3A_123, %dma_start3A_124] : memref<2x80x128xf32, #tpu.memory_space<vmem>> -> memref<1x80x128xf32, #tpu.memory_space<vmem>>
      %dma_start3A_126 = tpu.memref_squeeze %dma_start3A_125 : memref<1x80x128xf32, #tpu.memory_space<vmem>> -> memref<80x128xf32, #tpu.memory_space<vmem>>
      tpu.enqueue_dma source(%dma_start3A_126 : memref<80x128xf32, #tpu.memory_space<vmem>>) target(%dma_start3A_122 : memref<80x128xf32, #tpu.memory_space<hbm>>) target_semaphore(%arg14 : memref<!tpu.dma_semaphore, #tpu.memory_space<semaphore_mem>>)
      %add3A_127 = arith.constant 2 : i32
      %add3A_128 = arith.addi %add3A_81, %add3A_127 : i32
      %lt3A = arith.constant 320 : i32
      %lt3A_129 = arith.cmpi slt, %add3A_128, %lt3A : i32
      %convert_element_type3A_130 = arith.extui %lt3A_129 : i1 to i32
      %cond3A_131 = arith.constant 0 : i32
      %cond3A_132 = arith.cmpi ne, %convert_element_type3A_130, %cond3A_131 : i32
      scf.if %cond3A_132 {
        %mul3A_190 = arith.constant 80 : i32
        %mul3A_191 = arith.muli %add3A_128, %mul3A_190 : i32
        %dma_start3A_192 = arith.constant 0 : i32
        %dma_start3A_193 = arith.constant 0 : i32
        %dma_start3A_194 = arith.constant 0 : i32
        %dma_start3A_195 = tpu.memref_slice %arg9[%dma_start3A_192, %dma_start3A_193, %dma_start3A_194] : memref<2x80x128xf32, #tpu.memory_space<vmem>> -> memref<1x80x128xf32, #tpu.memory_space<vmem>>
        %dma_start3A_196 = tpu.memref_squeeze %dma_start3A_195 : memref<1x80x128xf32, #tpu.memory_space<vmem>> -> memref<80x128xf32, #tpu.memory_space<vmem>>
        %dma_start3A_197 = tpu.memref_slice %arg7[%mul3A_191] : memref<25600xi32, #tpu.memory_space<vmem>> -> memref<80xi32, #tpu.memory_space<vmem>>
        %dma_start3A_198 = arith.constant 0 : i32
        %dma_start3A_199 = arith.constant 0 : i32
        %dma_start3A_200 = tpu.memref_slice %arg4[%dma_start3A_198, %dma_start3A_199] : memref<100000x128xf32, #tpu.memory_space<hbm>> -> memref<100000x128xf32, #tpu.memory_space<hbm>>
        tpu.enqueue_indirect_dma source(%dma_start3A_200 : memref<100000x128xf32, #tpu.memory_space<hbm>>) target(%dma_start3A_196 : memref<80x128xf32, #tpu.memory_space<vmem>>) offsets(%dma_start3A_197 : memref<80xi32, #tpu.memory_space<vmem>>) semaphore(%arg12 : memref<!tpu.dma_semaphore, #tpu.memory_space<semaphore_mem>>)
        %mul3A_201 = arith.constant 80 : i32
        %mul3A_202 = arith.muli %add3A_128, %mul3A_201 : i32
        %dma_start3A_203 = arith.constant 0 : i32
        %dma_start3A_204 = arith.constant 0 : i32
        %dma_start3A_205 = arith.constant 0 : i32
        %dma_start3A_206 = tpu.memref_slice %arg10[%dma_start3A_203, %dma_start3A_204, %dma_start3A_205] : memref<2x80x128xf32, #tpu.memory_space<vmem>> -> memref<1x80x128xf32, #tpu.memory_space<vmem>>
        %dma_start3A_207 = tpu.memref_squeeze %dma_start3A_206 : memref<1x80x128xf32, #tpu.memory_space<vmem>> -> memref<80x128xf32, #tpu.memory_space<vmem>>
        %dma_start3A_208 = tpu.memref_slice %arg8[%mul3A_202] : memref<25600xi32, #tpu.memory_space<vmem>> -> memref<80xi32, #tpu.memory_space<vmem>>
        %dma_start3A_209 = arith.constant 0 : i32
        %dma_start3A_210 = arith.constant 0 : i32
        %dma_start3A_211 = tpu.memref_slice %arg5[%dma_start3A_209, %dma_start3A_210] : memref<512x128xf32, #tpu.memory_space<hbm>> -> memref<512x128xf32, #tpu.memory_space<hbm>>
        tpu.enqueue_indirect_dma source(%dma_start3A_211 : memref<512x128xf32, #tpu.memory_space<hbm>>) target(%dma_start3A_207 : memref<80x128xf32, #tpu.memory_space<vmem>>) offsets(%dma_start3A_208 : memref<80xi32, #tpu.memory_space<vmem>>) semaphore(%arg12 : memref<!tpu.dma_semaphore, #tpu.memory_space<semaphore_mem>>)
      } else {
      }
      %add3A_133 = arith.constant 1 : i32
      %add3A_134 = arith.addi %add3A_79, %add3A_133 : i32
      %mul3A_135 = arith.constant 80 : i32
      %mul3A_136 = arith.muli %add3A_134, %mul3A_135 : i32
      %add3A_137 = arith.addi %mul3A_2, %mul3A_136 : i32
      %mul3A_138 = arith.constant 80 : i32
      %mul3A_139 = arith.muli %add3A_134, %mul3A_138 : i32
      %dma_wait3A_140 = arith.constant 1 : i32
      %dma_wait3A_141 = arith.constant 0 : i32
      %dma_wait3A_142 = arith.constant 0 : i32
      %dma_wait3A_143 = tpu.memref_slice %arg9[%dma_wait3A_140, %dma_wait3A_141, %dma_wait3A_142] : memref<2x80x128xf32, #tpu.memory_space<vmem>> -> memref<1x80x128xf32, #tpu.memory_space<vmem>>
      %dma_wait3A_144 = tpu.memref_squeeze %dma_wait3A_143 : memref<1x80x128xf32, #tpu.memory_space<vmem>> -> memref<80x128xf32, #tpu.memory_space<vmem>>
      %dma_wait3A_145 = tpu.memref_slice %arg7[%mul3A_139] : memref<25600xi32, #tpu.memory_space<vmem>> -> memref<80xi32, #tpu.memory_space<vmem>>
      %dma_wait3A_146 = arith.constant 0 : i32
      %dma_wait3A_147 = arith.constant 0 : i32
      %dma_wait3A_148 = tpu.memref_slice %arg4[%dma_wait3A_146, %dma_wait3A_147] : memref<100000x128xf32, #tpu.memory_space<hbm>> -> memref<100000x128xf32, #tpu.memory_space<hbm>>
      tpu.wait_indirect_dma semaphore(%arg13 : memref<!tpu.dma_semaphore, #tpu.memory_space<semaphore_mem>>) src(%dma_wait3A_148 : memref<100000x128xf32, #tpu.memory_space<hbm>>) dst(%dma_wait3A_144 : memref<80x128xf32, #tpu.memory_space<vmem>>)
      %mul3A_149 = arith.constant 80 : i32
      %mul3A_150 = arith.muli %add3A_134, %mul3A_149 : i32
      %dma_wait3A_151 = arith.constant 1 : i32
      %dma_wait3A_152 = arith.constant 0 : i32
      %dma_wait3A_153 = arith.constant 0 : i32
      %dma_wait3A_154 = tpu.memref_slice %arg10[%dma_wait3A_151, %dma_wait3A_152, %dma_wait3A_153] : memref<2x80x128xf32, #tpu.memory_space<vmem>> -> memref<1x80x128xf32, #tpu.memory_space<vmem>>
      %dma_wait3A_155 = tpu.memref_squeeze %dma_wait3A_154 : memref<1x80x128xf32, #tpu.memory_space<vmem>> -> memref<80x128xf32, #tpu.memory_space<vmem>>
      %dma_wait3A_156 = tpu.memref_slice %arg8[%mul3A_150] : memref<25600xi32, #tpu.memory_space<vmem>> -> memref<80xi32, #tpu.memory_space<vmem>>
      %dma_wait3A_157 = arith.constant 0 : i32
      %dma_wait3A_158 = arith.constant 0 : i32
      %dma_wait3A_159 = tpu.memref_slice %arg5[%dma_wait3A_157, %dma_wait3A_158] : memref<512x128xf32, #tpu.memory_space<hbm>> -> memref<512x128xf32, #tpu.memory_space<hbm>>
      tpu.wait_indirect_dma semaphore(%arg13 : memref<!tpu.dma_semaphore, #tpu.memory_space<semaphore_mem>>) src(%dma_wait3A_159 : memref<512x128xf32, #tpu.memory_space<hbm>>) dst(%dma_wait3A_155 : memref<80x128xf32, #tpu.memory_space<vmem>>)
      %ge3A_160 = arith.constant 2 : i32
      %ge3A_161 = arith.cmpi sge, %add3A_134, %ge3A_160 : i32
      %convert_element_type3A_162 = arith.extui %ge3A_161 : i1 to i32
      %cond3A_163 = arith.constant 0 : i32
      %cond3A_164 = arith.cmpi ne, %convert_element_type3A_162, %cond3A_163 : i32
      scf.if %cond3A_164 {
        %sub3A = arith.constant 160 : i32
        %sub3A_190 = arith.subi %add3A_137, %sub3A : i32
        %dma_wait3A_191 = arith.constant 1 : i32
        %dma_wait3A_192 = arith.constant 0 : i32
        %dma_wait3A_193 = arith.constant 0 : i32
        %dma_wait3A_194 = tpu.memref_slice %arg11[%dma_wait3A_191, %dma_wait3A_192, %dma_wait3A_193] : memref<2x80x128xf32, #tpu.memory_space<vmem>> -> memref<1x80x128xf32, #tpu.memory_space<vmem>>
        %dma_wait3A_195 = tpu.memref_squeeze %dma_wait3A_194 : memref<1x80x128xf32, #tpu.memory_space<vmem>> -> memref<80x128xf32, #tpu.memory_space<vmem>>
        %dma_wait3A_196 = arith.constant 0 : i32
        %dma_wait3A_197 = tpu.memref_slice %arg6[%sub3A_190, %dma_wait3A_196] : memref<819200x128xf32, #tpu.memory_space<hbm>> -> memref<80x128xf32, #tpu.memory_space<hbm>>
        %dma_wait3A_198 = arith.constant 0 : i32
        %dma_wait3A_199 = tpu.memref_slice %arg6[%sub3A_190, %dma_wait3A_198] : memref<819200x128xf32, #tpu.memory_space<hbm>> -> memref<80x128xf32, #tpu.memory_space<hbm>>
        %dma_wait3A_200 = arith.constant 0 : i32
        %dma_wait3A_201 = arith.constant 0 : i32
        %dma_wait3A_202 = tpu.memref_slice %arg11[%dma_wait3A_191, %dma_wait3A_200, %dma_wait3A_201] : memref<2x80x128xf32, #tpu.memory_space<vmem>> -> memref<1x80x128xf32, #tpu.memory_space<vmem>>
        %dma_wait3A_203 = tpu.memref_squeeze %dma_wait3A_202 : memref<1x80x128xf32, #tpu.memory_space<vmem>> -> memref<80x128xf32, #tpu.memory_space<vmem>>
        tpu.wait_dma2 semaphore(%arg15 : memref<!tpu.dma_semaphore, #tpu.memory_space<semaphore_mem>>) src(%dma_wait3A_203 : memref<80x128xf32, #tpu.memory_space<vmem>>) dst(%dma_wait3A_199 : memref<80x128xf32, #tpu.memory_space<hbm>>)
      } else {
      }
      %scan3A_165 = arith.constant 0 : i32
      %scan3A_166 = arith.constant 80 : i32
      %scan3A_167 = arith.addi %scan3A_165, %scan3A_166 : i32
      %scan3A_168 = arith.constant 1 : i32
      scf.for %scan3A_190 = %scan3A_165 to %scan3A_167 step %scan3A_168  : i32 {
        %mul3A_191 = arith.constant 1 : i32
        %mul3A_192 = arith.muli %scan3A_190, %mul3A_191 : i32
        %add3A_193 = arith.constant 0 : i32
        %add3A_194 = arith.addi %add3A_193, %mul3A_192 : i32
        %get3A = arith.constant 1 : i32
        %get3A_195 = arith.index_cast %get3A : i32 to index
        %get3A_196 = arith.index_cast %add3A_194 : i32 to index
        %get3A_197 = arith.constant 0 : index
        %get3A_198 = tpu.vector_load %arg9[%get3A_195, %get3A_196, %get3A_197] {strides = array<i32>} : memref<2x80x128xf32, #tpu.memory_space<vmem>>, vector<1x1x16xf32>,
        %get3A_199 = vector.shape_cast %get3A_198 : vector<1x1x16xf32> to vector<16xf32>
        %get3A_200 = arith.constant 1 : i32
        %get3A_201 = arith.index_cast %get3A_200 : i32 to index
        %get3A_202 = arith.index_cast %add3A_194 : i32 to index
        %get3A_203 = arith.constant 0 : index
        %get3A_204 = tpu.vector_load %arg10[%get3A_201, %get3A_202, %get3A_203] {strides = array<i32>} : memref<2x80x128xf32, #tpu.memory_space<vmem>>, vector<1x1x16xf32>,
        %get3A_205 = vector.shape_cast %get3A_204 : vector<1x1x16xf32> to vector<16xf32>
        %add3A_206 = arith.addf %get3A_199, %get3A_205 : vector<16xf32>
        %swap3A = arith.constant 1 : i32
        %swap3A_207 = arith.index_cast %swap3A : i32 to index
        %swap3A_208 = arith.index_cast %add3A_194 : i32 to index
        %swap3A_209 = arith.constant 0 : index
        %swap3A_210 = tpu.vector_load %arg11[%swap3A_207, %swap3A_208, %swap3A_209] {strides = array<i32>} : memref<2x80x128xf32, #tpu.memory_space<vmem>>, vector<1x1x16xf32>,
        %swap3A_211 = vector.shape_cast %swap3A_210 : vector<1x1x16xf32> to vector<16xf32>
        %swap3A_212 = vector.shape_cast %add3A_206 : vector<16xf32> to vector<1x1x16xf32>
        tpu.vector_store %arg11[%swap3A_207, %swap3A_208, %swap3A_209], %swap3A_212 {strides = array<i32>} : memref<2x80x128xf32, #tpu.memory_space<vmem>>, vector<1x1x16xf32>,
        %get3A_213 = arith.constant 1 : i32
        %get3A_214 = arith.index_cast %get3A_213 : i32 to index
        %get3A_215 = arith.index_cast %add3A_194 : i32 to index
        %get3A_216 = arith.constant 16 : index
        %get3A_217 = tpu.vector_load %arg9[%get3A_214, %get3A_215, %get3A_216] {strides = array<i32>} : memref<2x80x128xf32, #tpu.memory_space<vmem>>, vector<1x1x16xf32>,
        %get3A_218 = vector.shape_cast %get3A_217 : vector<1x1x16xf32> to vector<16xf32>
        %get3A_219 = arith.constant 1 : i32
        %get3A_220 = arith.index_cast %get3A_219 : i32 to index
        %get3A_221 = arith.index_cast %add3A_194 : i32 to index
        %get3A_222 = arith.constant 16 : index
        %get3A_223 = tpu.vector_load %arg10[%get3A_220, %get3A_221, %get3A_222] {strides = array<i32>} : memref<2x80x128xf32, #tpu.memory_space<vmem>>, vector<1x1x16xf32>,
        %get3A_224 = vector.shape_cast %get3A_223 : vector<1x1x16xf32> to vector<16xf32>
        %add3A_225 = arith.addf %get3A_218, %get3A_224 : vector<16xf32>
        %swap3A_226 = arith.constant 1 : i32
        %swap3A_227 = arith.index_cast %swap3A_226 : i32 to index
        %swap3A_228 = arith.index_cast %add3A_194 : i32 to index
        %swap3A_229 = arith.constant 16 : index
        %swap3A_230 = tpu.vector_load %arg11[%swap3A_227, %swap3A_228, %swap3A_229] {strides = array<i32>} : memref<2x80x128xf32, #tpu.memory_space<vmem>>, vector<1x1x16xf32>,
        %swap3A_231 = vector.shape_cast %swap3A_230 : vector<1x1x16xf32> to vector<16xf32>
        %swap3A_232 = vector.shape_cast %add3A_225 : vector<16xf32> to vector<1x1x16xf32>
        tpu.vector_store %arg11[%swap3A_227, %swap3A_228, %swap3A_229], %swap3A_232 {strides = array<i32>} : memref<2x80x128xf32, #tpu.memory_space<vmem>>, vector<1x1x16xf32>,
        %get3A_233 = arith.constant 1 : i32
        %get3A_234 = arith.index_cast %get3A_233 : i32 to index
        %get3A_235 = arith.index_cast %add3A_194 : i32 to index
        %get3A_236 = arith.constant 32 : index
        %get3A_237 = tpu.vector_load %arg9[%get3A_234, %get3A_235, %get3A_236] {strides = array<i32>} : memref<2x80x128xf32, #tpu.memory_space<vmem>>, vector<1x1x16xf32>,
        %get3A_238 = vector.shape_cast %get3A_237 : vector<1x1x16xf32> to vector<16xf32>
        %get3A_239 = arith.constant 1 : i32
        %get3A_240 = arith.index_cast %get3A_239 : i32 to index
        %get3A_241 = arith.index_cast %add3A_194 : i32 to index
        %get3A_242 = arith.constant 32 : index
        %get3A_243 = tpu.vector_load %arg10[%get3A_240, %get3A_241, %get3A_242] {strides = array<i32>} : memref<2x80x128xf32, #tpu.memory_space<vmem>>, vector<1x1x16xf32>,
        %get3A_244 = vector.shape_cast %get3A_243 : vector<1x1x16xf32> to vector<16xf32>
        %add3A_245 = arith.addf %get3A_238, %get3A_244 : vector<16xf32>
        %swap3A_246 = arith.constant 1 : i32
        %swap3A_247 = arith.index_cast %swap3A_246 : i32 to index
        %swap3A_248 = arith.index_cast %add3A_194 : i32 to index
        %swap3A_249 = arith.constant 32 : index
        %swap3A_250 = tpu.vector_load %arg11[%swap3A_247, %swap3A_248, %swap3A_249] {strides = array<i32>} : memref<2x80x128xf32, #tpu.memory_space<vmem>>, vector<1x1x16xf32>,
        %swap3A_251 = vector.shape_cast %swap3A_250 : vector<1x1x16xf32> to vector<16xf32>
        %swap3A_252 = vector.shape_cast %add3A_245 : vector<16xf32> to vector<1x1x16xf32>
        tpu.vector_store %arg11[%swap3A_247, %swap3A_248, %swap3A_249], %swap3A_252 {strides = array<i32>} : memref<2x80x128xf32, #tpu.memory_space<vmem>>, vector<1x1x16xf32>,
        %get3A_253 = arith.constant 1 : i32
        %get3A_254 = arith.index_cast %get3A_253 : i32 to index
        %get3A_255 = arith.index_cast %add3A_194 : i32 to index
        %get3A_256 = arith.constant 48 : index
        %get3A_257 = tpu.vector_load %arg9[%get3A_254, %get3A_255, %get3A_256] {strides = array<i32>} : memref<2x80x128xf32, #tpu.memory_space<vmem>>, vector<1x1x16xf32>,
        %get3A_258 = vector.shape_cast %get3A_257 : vector<1x1x16xf32> to vector<16xf32>
        %get3A_259 = arith.constant 1 : i32
        %get3A_260 = arith.index_cast %get3A_259 : i32 to index
        %get3A_261 = arith.index_cast %add3A_194 : i32 to index
        %get3A_262 = arith.constant 48 : index
        %get3A_263 = tpu.vector_load %arg10[%get3A_260, %get3A_261, %get3A_262] {strides = array<i32>} : memref<2x80x128xf32, #tpu.memory_space<vmem>>, vector<1x1x16xf32>,
        %get3A_264 = vector.shape_cast %get3A_263 : vector<1x1x16xf32> to vector<16xf32>
        %add3A_265 = arith.addf %get3A_258, %get3A_264 : vector<16xf32>
        %swap3A_266 = arith.constant 1 : i32
        %swap3A_267 = arith.index_cast %swap3A_266 : i32 to index
        %swap3A_268 = arith.index_cast %add3A_194 : i32 to index
        %swap3A_269 = arith.constant 48 : index
        %swap3A_270 = tpu.vector_load %arg11[%swap3A_267, %swap3A_268, %swap3A_269] {strides = array<i32>} : memref<2x80x128xf32, #tpu.memory_space<vmem>>, vector<1x1x16xf32>,
        %swap3A_271 = vector.shape_cast %swap3A_270 : vector<1x1x16xf32> to vector<16xf32>
        %swap3A_272 = vector.shape_cast %add3A_265 : vector<16xf32> to vector<1x1x16xf32>
        tpu.vector_store %arg11[%swap3A_267, %swap3A_268, %swap3A_269], %swap3A_272 {strides = array<i32>} : memref<2x80x128xf32, #tpu.memory_space<vmem>>, vector<1x1x16xf32>,
        %get3A_273 = arith.constant 1 : i32
        %get3A_274 = arith.index_cast %get3A_273 : i32 to index
        %get3A_275 = arith.index_cast %add3A_194 : i32 to index
        %get3A_276 = arith.constant 64 : index
        %get3A_277 = tpu.vector_load %arg9[%get3A_274, %get3A_275, %get3A_276] {strides = array<i32>} : memref<2x80x128xf32, #tpu.memory_space<vmem>>, vector<1x1x16xf32>,
        %get3A_278 = vector.shape_cast %get3A_277 : vector<1x1x16xf32> to vector<16xf32>
        %get3A_279 = arith.constant 1 : i32
        %get3A_280 = arith.index_cast %get3A_279 : i32 to index
        %get3A_281 = arith.index_cast %add3A_194 : i32 to index
        %get3A_282 = arith.constant 64 : index
        %get3A_283 = tpu.vector_load %arg10[%get3A_280, %get3A_281, %get3A_282] {strides = array<i32>} : memref<2x80x128xf32, #tpu.memory_space<vmem>>, vector<1x1x16xf32>,
        %get3A_284 = vector.shape_cast %get3A_283 : vector<1x1x16xf32> to vector<16xf32>
        %add3A_285 = arith.addf %get3A_278, %get3A_284 : vector<16xf32>
        %swap3A_286 = arith.constant 1 : i32
        %swap3A_287 = arith.index_cast %swap3A_286 : i32 to index
        %swap3A_288 = arith.index_cast %add3A_194 : i32 to index
        %swap3A_289 = arith.constant 64 : index
        %swap3A_290 = tpu.vector_load %arg11[%swap3A_287, %swap3A_288, %swap3A_289] {strides = array<i32>} : memref<2x80x128xf32, #tpu.memory_space<vmem>>, vector<1x1x16xf32>,
        %swap3A_291 = vector.shape_cast %swap3A_290 : vector<1x1x16xf32> to vector<16xf32>
        %swap3A_292 = vector.shape_cast %add3A_285 : vector<16xf32> to vector<1x1x16xf32>
        tpu.vector_store %arg11[%swap3A_287, %swap3A_288, %swap3A_289], %swap3A_292 {strides = array<i32>} : memref<2x80x128xf32, #tpu.memory_space<vmem>>, vector<1x1x16xf32>,
        %get3A_293 = arith.constant 1 : i32
        %get3A_294 = arith.index_cast %get3A_293 : i32 to index
        %get3A_295 = arith.index_cast %add3A_194 : i32 to index
        %get3A_296 = arith.constant 80 : index
        %get3A_297 = tpu.vector_load %arg9[%get3A_294, %get3A_295, %get3A_296] {strides = array<i32>} : memref<2x80x128xf32, #tpu.memory_space<vmem>>, vector<1x1x16xf32>,
        %get3A_298 = vector.shape_cast %get3A_297 : vector<1x1x16xf32> to vector<16xf32>
        %get3A_299 = arith.constant 1 : i32
        %get3A_300 = arith.index_cast %get3A_299 : i32 to index
        %get3A_301 = arith.index_cast %add3A_194 : i32 to index
        %get3A_302 = arith.constant 80 : index
        %get3A_303 = tpu.vector_load %arg10[%get3A_300, %get3A_301, %get3A_302] {strides = array<i32>} : memref<2x80x128xf32, #tpu.memory_space<vmem>>, vector<1x1x16xf32>,
        %get3A_304 = vector.shape_cast %get3A_303 : vector<1x1x16xf32> to vector<16xf32>
        %add3A_305 = arith.addf %get3A_298, %get3A_304 : vector<16xf32>
        %swap3A_306 = arith.constant 1 : i32
        %swap3A_307 = arith.index_cast %swap3A_306 : i32 to index
        %swap3A_308 = arith.index_cast %add3A_194 : i32 to index
        %swap3A_309 = arith.constant 80 : index
        %swap3A_310 = tpu.vector_load %arg11[%swap3A_307, %swap3A_308, %swap3A_309] {strides = array<i32>} : memref<2x80x128xf32, #tpu.memory_space<vmem>>, vector<1x1x16xf32>,
        %swap3A_311 = vector.shape_cast %swap3A_310 : vector<1x1x16xf32> to vector<16xf32>
        %swap3A_312 = vector.shape_cast %add3A_305 : vector<16xf32> to vector<1x1x16xf32>
        tpu.vector_store %arg11[%swap3A_307, %swap3A_308, %swap3A_309], %swap3A_312 {strides = array<i32>} : memref<2x80x128xf32, #tpu.memory_space<vmem>>, vector<1x1x16xf32>,
        %get3A_313 = arith.constant 1 : i32
        %get3A_314 = arith.index_cast %get3A_313 : i32 to index
        %get3A_315 = arith.index_cast %add3A_194 : i32 to index
        %get3A_316 = arith.constant 96 : index
        %get3A_317 = tpu.vector_load %arg9[%get3A_314, %get3A_315, %get3A_316] {strides = array<i32>} : memref<2x80x128xf32, #tpu.memory_space<vmem>>, vector<1x1x16xf32>,
        %get3A_318 = vector.shape_cast %get3A_317 : vector<1x1x16xf32> to vector<16xf32>
        %get3A_319 = arith.constant 1 : i32
        %get3A_320 = arith.index_cast %get3A_319 : i32 to index
        %get3A_321 = arith.index_cast %add3A_194 : i32 to index
        %get3A_322 = arith.constant 96 : index
        %get3A_323 = tpu.vector_load %arg10[%get3A_320, %get3A_321, %get3A_322] {strides = array<i32>} : memref<2x80x128xf32, #tpu.memory_space<vmem>>, vector<1x1x16xf32>,
        %get3A_324 = vector.shape_cast %get3A_323 : vector<1x1x16xf32> to vector<16xf32>
        %add3A_325 = arith.addf %get3A_318, %get3A_324 : vector<16xf32>
        %swap3A_326 = arith.constant 1 : i32
        %swap3A_327 = arith.index_cast %swap3A_326 : i32 to index
        %swap3A_328 = arith.index_cast %add3A_194 : i32 to index
        %swap3A_329 = arith.constant 96 : index
        %swap3A_330 = tpu.vector_load %arg11[%swap3A_327, %swap3A_328, %swap3A_329] {strides = array<i32>} : memref<2x80x128xf32, #tpu.memory_space<vmem>>, vector<1x1x16xf32>,
        %swap3A_331 = vector.shape_cast %swap3A_330 : vector<1x1x16xf32> to vector<16xf32>
        %swap3A_332 = vector.shape_cast %add3A_325 : vector<16xf32> to vector<1x1x16xf32>
        tpu.vector_store %arg11[%swap3A_327, %swap3A_328, %swap3A_329], %swap3A_332 {strides = array<i32>} : memref<2x80x128xf32, #tpu.memory_space<vmem>>, vector<1x1x16xf32>,
        %get3A_333 = arith.constant 1 : i32
        %get3A_334 = arith.index_cast %get3A_333 : i32 to index
        %get3A_335 = arith.index_cast %add3A_194 : i32 to index
        %get3A_336 = arith.constant 112 : index
        %get3A_337 = tpu.vector_load %arg9[%get3A_334, %get3A_335, %get3A_336] {strides = array<i32>} : memref<2x80x128xf32, #tpu.memory_space<vmem>>, vector<1x1x16xf32>,
        %get3A_338 = vector.shape_cast %get3A_337 : vector<1x1x16xf32> to vector<16xf32>
        %get3A_339 = arith.constant 1 : i32
        %get3A_340 = arith.index_cast %get3A_339 : i32 to index
        %get3A_341 = arith.index_cast %add3A_194 : i32 to index
        %get3A_342 = arith.constant 112 : index
        %get3A_343 = tpu.vector_load %arg10[%get3A_340, %get3A_341, %get3A_342] {strides = array<i32>} : memref<2x80x128xf32, #tpu.memory_space<vmem>>, vector<1x1x16xf32>,
        %get3A_344 = vector.shape_cast %get3A_343 : vector<1x1x16xf32> to vector<16xf32>
        %add3A_345 = arith.addf %get3A_338, %get3A_344 : vector<16xf32>
        %swap3A_346 = arith.constant 1 : i32
        %swap3A_347 = arith.index_cast %swap3A_346 : i32 to index
        %swap3A_348 = arith.index_cast %add3A_194 : i32 to index
        %swap3A_349 = arith.constant 112 : index
        %swap3A_350 = tpu.vector_load %arg11[%swap3A_347, %swap3A_348, %swap3A_349] {strides = array<i32>} : memref<2x80x128xf32, #tpu.memory_space<vmem>>, vector<1x1x16xf32>,
        %swap3A_351 = vector.shape_cast %swap3A_350 : vector<1x1x16xf32> to vector<16xf32>
        %swap3A_352 = vector.shape_cast %add3A_345 : vector<16xf32> to vector<1x1x16xf32>
        tpu.vector_store %arg11[%swap3A_347, %swap3A_348, %swap3A_349], %swap3A_352 {strides = array<i32>} : memref<2x80x128xf32, #tpu.memory_space<vmem>>, vector<1x1x16xf32>,
      }
      %scan3A_169 = arith.constant 80 : i32
      %dma_start3A_170 = arith.constant 1 : i32
      %dma_start3A_171 = arith.constant 0 : i32
      %dma_start3A_172 = arith.constant 0 : i32
      %dma_start3A_173 = tpu.memref_slice %arg11[%dma_start3A_170, %dma_start3A_171, %dma_start3A_172] : memref<2x80x128xf32, #tpu.memory_space<vmem>> -> memref<1x80x128xf32, #tpu.memory_space<vmem>>
      %dma_start3A_174 = tpu.memref_squeeze %dma_start3A_173 : memref<1x80x128xf32, #tpu.memory_space<vmem>> -> memref<80x128xf32, #tpu.memory_space<vmem>>
      %dma_start3A_175 = arith.constant 0 : i32
      %dma_start3A_176 = tpu.memref_slice %arg6[%add3A_137, %dma_start3A_175] : memref<819200x128xf32, #tpu.memory_space<hbm>> -> memref<80x128xf32, #tpu.memory_space<hbm>>
      %dma_start3A_177 = arith.constant 0 : i32
      %dma_start3A_178 = tpu.memref_slice %arg6[%add3A_137, %dma_start3A_177] : memref<819200x128xf32, #tpu.memory_space<hbm>> -> memref<80x128xf32, #tpu.memory_space<hbm>>
      %dma_start3A_179 = arith.constant 0 : i32
      %dma_start3A_180 = arith.constant 0 : i32
      %dma_start3A_181 = tpu.memref_slice %arg11[%dma_start3A_170, %dma_start3A_179, %dma_start3A_180] : memref<2x80x128xf32, #tpu.memory_space<vmem>> -> memref<1x80x128xf32, #tpu.memory_space<vmem>>
      %dma_start3A_182 = tpu.memref_squeeze %dma_start3A_181 : memref<1x80x128xf32, #tpu.memory_space<vmem>> -> memref<80x128xf32, #tpu.memory_space<vmem>>
      tpu.enqueue_dma source(%dma_start3A_182 : memref<80x128xf32, #tpu.memory_space<vmem>>) target(%dma_start3A_178 : memref<80x128xf32, #tpu.memory_space<hbm>>) target_semaphore(%arg15 : memref<!tpu.dma_semaphore, #tpu.memory_space<semaphore_mem>>)
      %add3A_183 = arith.constant 2 : i32
      %add3A_184 = arith.addi %add3A_134, %add3A_183 : i32
      %lt3A_185 = arith.constant 320 : i32
      %lt3A_186 = arith.cmpi slt, %add3A_184, %lt3A_185 : i32
      %convert_element_type3A_187 = arith.extui %lt3A_186 : i1 to i32
      %cond3A_188 = arith.constant 0 : i32
      %cond3A_189 = arith.cmpi ne, %convert_element_type3A_187, %cond3A_188 : i32
      scf.if %cond3A_189 {
        %mul3A_190 = arith.constant 80 : i32
        %mul3A_191 = arith.muli %add3A_184, %mul3A_190 : i32
        %dma_start3A_192 = arith.constant 1 : i32
        %dma_start3A_193 = arith.constant 0 : i32
        %dma_start3A_194 = arith.constant 0 : i32
        %dma_start3A_195 = tpu.memref_slice %arg9[%dma_start3A_192, %dma_start3A_193, %dma_start3A_194] : memref<2x80x128xf32, #tpu.memory_space<vmem>> -> memref<1x80x128xf32, #tpu.memory_space<vmem>>
        %dma_start3A_196 = tpu.memref_squeeze %dma_start3A_195 : memref<1x80x128xf32, #tpu.memory_space<vmem>> -> memref<80x128xf32, #tpu.memory_space<vmem>>
        %dma_start3A_197 = tpu.memref_slice %arg7[%mul3A_191] : memref<25600xi32, #tpu.memory_space<vmem>> -> memref<80xi32, #tpu.memory_space<vmem>>
        %dma_start3A_198 = arith.constant 0 : i32
        %dma_start3A_199 = arith.constant 0 : i32
        %dma_start3A_200 = tpu.memref_slice %arg4[%dma_start3A_198, %dma_start3A_199] : memref<100000x128xf32, #tpu.memory_space<hbm>> -> memref<100000x128xf32, #tpu.memory_space<hbm>>
        tpu.enqueue_indirect_dma source(%dma_start3A_200 : memref<100000x128xf32, #tpu.memory_space<hbm>>) target(%dma_start3A_196 : memref<80x128xf32, #tpu.memory_space<vmem>>) offsets(%dma_start3A_197 : memref<80xi32, #tpu.memory_space<vmem>>) semaphore(%arg13 : memref<!tpu.dma_semaphore, #tpu.memory_space<semaphore_mem>>)
        %mul3A_201 = arith.constant 80 : i32
        %mul3A_202 = arith.muli %add3A_184, %mul3A_201 : i32
        %dma_start3A_203 = arith.constant 1 : i32
        %dma_start3A_204 = arith.constant 0 : i32
        %dma_start3A_205 = arith.constant 0 : i32
        %dma_start3A_206 = tpu.memref_slice %arg10[%dma_start3A_203, %dma_start3A_204, %dma_start3A_205] : memref<2x80x128xf32, #tpu.memory_space<vmem>> -> memref<1x80x128xf32, #tpu.memory_space<vmem>>
        %dma_start3A_207 = tpu.memref_squeeze %dma_start3A_206 : memref<1x80x128xf32, #tpu.memory_space<vmem>> -> memref<80x128xf32, #tpu.memory_space<vmem>>
        %dma_start3A_208 = tpu.memref_slice %arg8[%mul3A_202] : memref<25600xi32, #tpu.memory_space<vmem>> -> memref<80xi32, #tpu.memory_space<vmem>>
        %dma_start3A_209 = arith.constant 0 : i32
        %dma_start3A_210 = arith.constant 0 : i32
        %dma_start3A_211 = tpu.memref_slice %arg5[%dma_start3A_209, %dma_start3A_210] : memref<512x128xf32, #tpu.memory_space<hbm>> -> memref<512x128xf32, #tpu.memory_space<hbm>>
        tpu.enqueue_indirect_dma source(%dma_start3A_211 : memref<512x128xf32, #tpu.memory_space<hbm>>) target(%dma_start3A_207 : memref<80x128xf32, #tpu.memory_space<vmem>>) offsets(%dma_start3A_208 : memref<80xi32, #tpu.memory_space<vmem>>) semaphore(%arg13 : memref<!tpu.dma_semaphore, #tpu.memory_space<semaphore_mem>>)
      } else {
      }
    }
    %scan3A_45 = arith.constant 160 : i32
    %add3A_46 = arith.constant 25440 : i32
    %add3A_47 = arith.addi %mul3A_2, %add3A_46 : i32
    %dma_wait3A = arith.constant 0 : i32
    %dma_wait3A_48 = arith.constant 0 : i32
    %dma_wait3A_49 = arith.constant 0 : i32
    %dma_wait3A_50 = tpu.memref_slice %arg11[%dma_wait3A, %dma_wait3A_48, %dma_wait3A_49] : memref<2x80x128xf32, #tpu.memory_space<vmem>> -> memref<1x80x128xf32, #tpu.memory_space<vmem>>
    %dma_wait3A_51 = tpu.memref_squeeze %dma_wait3A_50 : memref<1x80x128xf32, #tpu.memory_space<vmem>> -> memref<80x128xf32, #tpu.memory_space<vmem>>
    %dma_wait3A_52 = arith.constant 0 : i32
    %dma_wait3A_53 = tpu.memref_slice %arg6[%add3A_47, %dma_wait3A_52] : memref<819200x128xf32, #tpu.memory_space<hbm>> -> memref<80x128xf32, #tpu.memory_space<hbm>>
    %dma_wait3A_54 = arith.constant 0 : i32
    %dma_wait3A_55 = tpu.memref_slice %arg6[%add3A_47, %dma_wait3A_54] : memref<819200x128xf32, #tpu.memory_space<hbm>> -> memref<80x128xf32, #tpu.memory_space<hbm>>
    %dma_wait3A_56 = arith.constant 0 : i32
    %dma_wait3A_57 = arith.constant 0 : i32
    %dma_wait3A_58 = tpu.memref_slice %arg11[%dma_wait3A, %dma_wait3A_56, %dma_wait3A_57] : memref<2x80x128xf32, #tpu.memory_space<vmem>> -> memref<1x80x128xf32, #tpu.memory_space<vmem>>
    %dma_wait3A_59 = tpu.memref_squeeze %dma_wait3A_58 : memref<1x80x128xf32, #tpu.memory_space<vmem>> -> memref<80x128xf32, #tpu.memory_space<vmem>>
    tpu.wait_dma2 semaphore(%arg14 : memref<!tpu.dma_semaphore, #tpu.memory_space<semaphore_mem>>) src(%dma_wait3A_59 : memref<80x128xf32, #tpu.memory_space<vmem>>) dst(%dma_wait3A_55 : memref<80x128xf32, #tpu.memory_space<hbm>>)
    %add3A_60 = arith.constant 25520 : i32
    %add3A_61 = arith.addi %mul3A_2, %add3A_60 : i32
    %dma_wait3A_62 = arith.constant 1 : i32
    %dma_wait3A_63 = arith.constant 0 : i32
    %dma_wait3A_64 = arith.constant 0 : i32
    %dma_wait3A_65 = tpu.memref_slice %arg11[%dma_wait3A_62, %dma_wait3A_63, %dma_wait3A_64] : memref<2x80x128xf32, #tpu.memory_space<vmem>> -> memref<1x80x128xf32, #tpu.memory_space<vmem>>
    %dma_wait3A_66 = tpu.memref_squeeze %dma_wait3A_65 : memref<1x80x128xf32, #tpu.memory_space<vmem>> -> memref<80x128xf32, #tpu.memory_space<vmem>>
    %dma_wait3A_67 = arith.constant 0 : i32
    %dma_wait3A_68 = tpu.memref_slice %arg6[%add3A_61, %dma_wait3A_67] : memref<819200x128xf32, #tpu.memory_space<hbm>> -> memref<80x128xf32, #tpu.memory_space<hbm>>
    %dma_wait3A_69 = arith.constant 0 : i32
    %dma_wait3A_70 = tpu.memref_slice %arg6[%add3A_61, %dma_wait3A_69] : memref<819200x128xf32, #tpu.memory_space<hbm>> -> memref<80x128xf32, #tpu.memory_space<hbm>>
    %dma_wait3A_71 = arith.constant 0 : i32
    %dma_wait3A_72 = arith.constant 0 : i32
    %dma_wait3A_73 = tpu.memref_slice %arg11[%dma_wait3A_62, %dma_wait3A_71, %dma_wait3A_72] : memref<2x80x128xf32, #tpu.memory_space<vmem>> -> memref<1x80x128xf32, #tpu.memory_space<vmem>>
    %dma_wait3A_74 = tpu.memref_squeeze %dma_wait3A_73 : memref<1x80x128xf32, #tpu.memory_space<vmem>> -> memref<80x128xf32, #tpu.memory_space<vmem>>
    tpu.wait_dma2 semaphore(%arg15 : memref<!tpu.dma_semaphore, #tpu.memory_space<semaphore_mem>>) src(%dma_wait3A_74 : memref<80x128xf32, #tpu.memory_space<vmem>>) dst(%dma_wait3A_70 : memref<80x128xf32, #tpu.memory_space<hbm>>)
    return
  }
}

module attributes {stable_mosaic.version = 14 : i64} {
  func.func @_proj_body(%arg0: i32, %arg1: memref<512x128xf32, #tpu.memory_space<vmem>>, %arg2: memref<128x128xf32, #tpu.memory_space<vmem>>, %arg3: memref<1x128xf32, #tpu.memory_space<vmem>>, %arg4: memref<512x128xf32, #tpu.memory_space<vmem>>) attributes {dimension_semantics = [#tpu.dimension_semantics<arbitrary>], iteration_bounds = array<i64: 1>, scalar_prefetch = 0 : i64, scratch_operands = 0 : i64, tpu.core_type = #tpu.core_type<tc>, window_params = [{transform_indices = @transform_0, window_bounds = array<i64: 512, 128>}, {pipeline_mode = #tpu.pipeline_mode<synchronous>, transform_indices = @transform_1, window_bounds = array<i64: 128, 128>}, {pipeline_mode = #tpu.pipeline_mode<synchronous>, transform_indices = @transform_2, window_bounds = array<i64: 1, 128>}, {transform_indices = @transform_3, window_bounds = array<i64: 512, 128>}]} {
    %get3A = arith.constant 0 : index
    %get3A_0 = arith.constant 0 : index
    %get3A_1 = vector.load %arg1[%get3A, %get3A_0] : memref<512x128xf32, #tpu.memory_space<vmem>>, vector<512x128xf32>
    %get3A_2 = arith.constant 0 : index
    %get3A_3 = arith.constant 0 : index
    %get3A_4 = vector.load %arg2[%get3A_2, %get3A_3] : memref<128x128xf32, #tpu.memory_space<vmem>>, vector<128x128xf32>
    %dot_general3A = arith.constant dense<0.000000e+00> : vector<512x128xf32>
    %dot_general3A_5 = tpu.matmul %get3A_1, %get3A_4, %dot_general3A {dimension_numbers = #tpu.dot_dimension_numbers<[1], [1], [0], [0], [0, 0, 1, 0], [], []>, transpose_lhs_hint = false} : vector<512x128xf32>, vector<128x128xf32>, vector<512x128xf32> -> vector<512x128xf32>
    %get3A_6 = arith.constant 0 : index
    %get3A_7 = arith.constant 0 : index
    %get3A_8 = vector.load %arg3[%get3A_6, %get3A_7] : memref<1x128xf32, #tpu.memory_space<vmem>>, vector<1x128xf32>
    %add3A = vector.broadcast %get3A_8 : vector<1x128xf32> to vector<512x128xf32>
    %add3A_9 = arith.addf %dot_general3A_5, %add3A : vector<512x128xf32>
    %swap3A = arith.constant 0 : index
    %swap3A_10 = arith.constant 0 : index
    %swap3A_11 = vector.load %arg4[%swap3A, %swap3A_10] : memref<512x128xf32, #tpu.memory_space<vmem>>, vector<512x128xf32>
    tpu.vector_store %arg4[%swap3A, %swap3A_10], %add3A_9 {strides = array<i32>} : memref<512x128xf32, #tpu.memory_space<vmem>>, vector<512x128xf32>,
    return
  }
  func.func @transform_0(%arg0: i32) -> (i32, i32) {
    %c0_i32 = arith.constant 0 : i32
    %c0_i32_0 = arith.constant 0 : i32
    return %arg0, %c0_i32 : i32, i32
  }
  func.func @transform_1(%arg0: i32) -> (i32, i32) {
    %c0_i32 = arith.constant 0 : i32
    %c0_i32_0 = arith.constant 0 : i32
    %c0_i32_1 = arith.constant 0 : i32
    return %c0_i32, %c0_i32_0 : i32, i32
  }
  func.func @transform_2(%arg0: i32) -> (i32, i32) {
    %c0_i32 = arith.constant 0 : i32
    %c0_i32_0 = arith.constant 0 : i32
    %c0_i32_1 = arith.constant 0 : i32
    return %c0_i32, %c0_i32_0 : i32, i32
  }
  func.func @transform_3(%arg0: i32) -> (i32, i32) {
    %c0_i32 = arith.constant 0 : i32
    %c0_i32_0 = arith.constant 0 : i32
    return %arg0, %c0_i32 : i32, i32
  }
}

module attributes {stable_mosaic.version = 14 : i64} {
  func.func @_proj_body(%arg0: i32, %arg1: memref<2000x128xf32, #tpu.memory_space<vmem>>, %arg2: memref<128x128xf32, #tpu.memory_space<vmem>>, %arg3: memref<1x128xf32, #tpu.memory_space<vmem>>, %arg4: memref<2000x128xf32, #tpu.memory_space<vmem>>) attributes {dimension_semantics = [#tpu.dimension_semantics<arbitrary>], iteration_bounds = array<i64: 50>, scalar_prefetch = 0 : i64, scratch_operands = 0 : i64, tpu.core_type = #tpu.core_type<tc>, window_params = [{transform_indices = @transform_0, window_bounds = array<i64: 2000, 128>}, {pipeline_mode = #tpu.pipeline_mode<synchronous>, transform_indices = @transform_1, window_bounds = array<i64: 128, 128>}, {pipeline_mode = #tpu.pipeline_mode<synchronous>, transform_indices = @transform_2, window_bounds = array<i64: 1, 128>}, {transform_indices = @transform_3, window_bounds = array<i64: 2000, 128>}]} {
    %get3A = arith.constant 0 : index
    %get3A_0 = arith.constant 0 : index
    %get3A_1 = vector.load %arg1[%get3A, %get3A_0] : memref<2000x128xf32, #tpu.memory_space<vmem>>, vector<2000x128xf32>
    %get3A_2 = arith.constant 0 : index
    %get3A_3 = arith.constant 0 : index
    %get3A_4 = vector.load %arg2[%get3A_2, %get3A_3] : memref<128x128xf32, #tpu.memory_space<vmem>>, vector<128x128xf32>
    %dot_general3A = arith.constant dense<0.000000e+00> : vector<2000x128xf32>
    %dot_general3A_5 = tpu.matmul %get3A_1, %get3A_4, %dot_general3A {dimension_numbers = #tpu.dot_dimension_numbers<[1], [1], [0], [0], [0, 0, 1, 0], [], []>, transpose_lhs_hint = false} : vector<2000x128xf32>, vector<128x128xf32>, vector<2000x128xf32> -> vector<2000x128xf32>
    %get3A_6 = arith.constant 0 : index
    %get3A_7 = arith.constant 0 : index
    %get3A_8 = vector.load %arg3[%get3A_6, %get3A_7] : memref<1x128xf32, #tpu.memory_space<vmem>>, vector<1x128xf32>
    %add3A = vector.broadcast %get3A_8 : vector<1x128xf32> to vector<2000x128xf32>
    %add3A_9 = arith.addf %dot_general3A_5, %add3A : vector<2000x128xf32>
    %swap3A = arith.constant 0 : index
    %swap3A_10 = arith.constant 0 : index
    %swap3A_11 = vector.load %arg4[%swap3A, %swap3A_10] : memref<2000x128xf32, #tpu.memory_space<vmem>>, vector<2000x128xf32>
    tpu.vector_store %arg4[%swap3A, %swap3A_10], %add3A_9 {strides = array<i32>} : memref<2000x128xf32, #tpu.memory_space<vmem>>, vector<2000x128xf32>,
    return
  }
  func.func @transform_0(%arg0: i32) -> (i32, i32) {
    %c0_i32 = arith.constant 0 : i32
    %c0_i32_0 = arith.constant 0 : i32
    return %arg0, %c0_i32 : i32, i32
  }
  func.func @transform_1(%arg0: i32) -> (i32, i32) {
    %c0_i32 = arith.constant 0 : i32
    %c0_i32_0 = arith.constant 0 : i32
    %c0_i32_1 = arith.constant 0 : i32
    return %c0_i32, %c0_i32_0 : i32, i32
  }
  func.func @transform_2(%arg0: i32) -> (i32, i32) {
    %c0_i32 = arith.constant 0 : i32
    %c0_i32_0 = arith.constant 0 : i32
    %c0_i32_1 = arith.constant 0 : i32
    return %c0_i32, %c0_i32_0 : i32, i32
  }
  func.func @transform_3(%arg0: i32) -> (i32, i32) {
    %c0_i32 = arith.constant 0 : i32
    %c0_i32_0 = arith.constant 0 : i32
    return %arg0, %c0_i32 : i32, i32
  }
}

</mosaic_0001>

<sc_bundles>
// kernel: kernel.5.cloned.1.call-start
scs
__scs_entry_jumppad:
0x0: {  	(pc) =	sbr.rel $0x88, $3  }
0x1: {  	(tag) =	ssettag $0x0;
	lr =	simm.s32 $0x1  }
0x2: {  	[smem:$0x3F9B] =	sst lr;
	_ =	strace $0xD0000000  }
0x3: {  	_ = 	snop  }
0x4: {  	_ = 	snop  }
0x5: {  	_ = 	snop  }
0x6: {  	_ = 	snop  }
0x7: {  	_ = 	snop  }
__scs_overlays_trampoline_lowered:
0x8: {  	[smem:$0x3FAA] =	sst s0  }
0x9: {  	[smem:$0x3FAB] =	sst s1  }
0xa: {  	[smem:$0x3FAC] =	sst s2  }
0xb: {  	[smem:$0x3FAD] =	sst s3  }
0xc: {  	[smem:$0x3FAE] =	sst s4  }
0xd: {  	[smem:$0x3FAF] =	sst s5  }
0xe: {  	[smem:$0x3FB0] =	sst s6  }
0xf: {  	[smem:$0x3FB1] =	sst s7  }
0x10: {  	[smem:$0x3FB2] =	sst s8  }
0x11: {  	[smem:$0x3FB3] =	sst s9;
	s0 =	simm.s32 @!p0 $0x0  }
0x12: {  	s1 =	sld [smem:$0x3F99];
	s0 =	simm.s32 @p0 $0x1  }
0x13: {  	[smem:$0x3FB4] =	sst s0;
	s0 =	simm.s32 @!p1 $0x0  }
0x14: {  	s2 =	sld [smem:$0x3F98];
	s0 =	simm.s32 @p1 $0x1  }
0x15: {  	[smem:$0x3FB5] =	sst s0;
	s0 =	simm.s32 @!p2 $0x0  }
0x16: {  	s3 =	sld [smem:$0x3FDB];
	s0 =	simm.s32 @p2 $0x1  }
0x17: {  	s4 =	simm.s32 $0x1BF5;
	[smem:$0x3FB7] =	sst s0  }
0x18: {  	s0 =	sld [smem:$0x3F9A];
	_ =	swait.ge [sflag:s4], $0x0  }
0x19: {  	s7 =	sld [smem:$0x3F9B]  }
0x1a: {  	s8 =	sadd.s32 $0xFFFFE003, lr  }
0x1b: {  	s9 =	sadd.s32 $0xFFFFFEF7, lr;
	s5 =	simm.s32 $0xFFFFFFFF;
	p2 =	slt.u32 s8, $0xFFFFF086  }
0x1c: {  	p1 =	slt.u32 s9, $0xF7A;
	s5 =	simm.s32 @!p2 $0x0  }
0x1d: {  	s5 =	simm.s32 @p1 $0x1;
	p0 =	seq.s32 s7, s2  }
0x1e: {  	s7 =	smul.u32 @!p0 $0xF7A, s2;
	p2 =	seq.s32 @!p0 s5, $0x0  }
0x1f: {  	s9 =	smul.u32 $0xF7A, s1;
	s8 =	simm.s32 @!p0 $0x1BF5;
	p2 =	por !p2, p0  }
0x20: {  	[sflag:s8] =	ssyncset.s32 @!p0 $0xFFFFF086;
	s6 =	sadd.s32 @!p0 s3, s7;
	s7 =	simm.s32 @!p0 $0x108  }
0x21: {  	s3 =	sadd.s32 s3, s9;
	s6 =	sadd.s32 @!p0 $0x88, s6;
	s7 =	simm.s32 @p2 $0x1082  }
0x22: {  	[simem:s7], [sflag:s8] =	dma.local @!p0 [hbm:s6], $0xF7A  }
0x23: {  	s9 =	sor.u32 $0xD0000000, s2;
	s6 =	simm.s32 $0x108;
	_ =	swait.ge @!p0 [sflag:s8], $0x0  }
0x24: {  	s3 =	sadd.s32 $0x88, s3;
	s6 =	simm.s32 @!p1 $0x1082;
	[sflag:s4] =	ssyncset.s32 $0xFFFFF086  }
0x25: {  	[simem:s6], [sflag:s4] =	dma.local [hbm:s3], $0xF7A  }
0x26: {  	[smem:$0x3F9B] =	sst s1;
	(tag) =	ssettag s2;
	_ =	strace s9  }
0x27: {  	s1 =	sld [smem:$0x3FAB]  }
0x28: {  	s2 =	sld [smem:$0x3FAC]  }
0x29: {  	s4 =	sld [smem:$0x3FAE]  }
0x2a: {  	p0 =	seq.s32 s5, $0x0;
	s5 =	sld [smem:$0x3FAF]  }
0x2b: {  	s6 =	sld [smem:$0x3FB0]  }
0x2c: {  	s7 =	sld [smem:$0x3FB1]  }
0x2d: {  	s3 =	simm.s32 $0x108;
	s8 =	sld [smem:$0x3FB2]  }
0x2e: {  	s3 =	simm.s32 @!p0 $0x1082;
	s9 =	sld [smem:$0x3FB3]  }
0x2f: {  	lr =	sadd.s32 s0, s3;
	s0 =	sld [smem:$0x3FAA]  }
0x30: {  	s3 =	sld [smem:$0x3FAD]  }
0x31: {  	[smem:$0x3FB6] =	sst s10  }
0x32: {  	s10 =	sld [smem:$0x3FB4];
	_ =	sdelay $0x3  }
0x33: {  	p0 =	seq.s32 s10, $0x1;
	s10 =	sld [smem:$0x3FB6];
	_ =	sdelay $0x3  }
0x34: {  	[smem:$0x3FB6] =	sst s10  }
0x35: {  	s10 =	sld [smem:$0x3FB5];
	_ =	sdelay $0x3  }
0x36: {  	p1 =	seq.s32 s10, $0x1;
	s10 =	sld [smem:$0x3FB6];
	_ =	sdelay $0x3  }
0x37: {  	[smem:$0x3FB6] =	sst s10  }
0x38: {  	s10 =	sld [smem:$0x3FB7]  }
0x39: {  	_ = 	snop;
	(pc) =	sbr.ind lr, $3  }
0x3a: {  	_ = 	snop  }
0x3b: {  	_ = 	snop  }
0x3c: {  	p2 =	seq.s32 s10, $0x1;
	s10 =	sld [smem:$0x3FB6]  }
0x3d: {  	_ =	shalt  }
0x3e: {  	_ =	shalt  }
0x3f: {  	_ =	shalt  }
0x40: {  	_ =	shalt  }
0x41: {  	_ =	shalt  }
0x42: {  	_ =	shalt  }
0x43: {  	_ =	shalt  }
0x44: {  	_ =	shalt  }
0x45: {  	_ =	shalt  }
0x46: {  	_ =	shalt  }
0x47: {  	_ =	shalt  }
0x48: {  	_ =	shalt  }
0x49: {  	_ =	shalt  }
0x4a: {  	_ =	shalt  }
0x4b: {  	_ =	shalt  }
0x4c: {  	_ =	shalt  }
0x4d: {  	_ =	shalt  }
0x4e: {  	_ =	shalt  }
0x4f: {  	_ =	shalt  }
0x50: {  	_ =	shalt  }
0x51: {  	_ =	shalt  }
0x52: {  	_ =	shalt  }
0x53: {  	_ =	shalt  }
0x54: {  	_ =	shalt  }
0x55: {  	_ =	shalt  }
0x56: {  	_ =	shalt  }
0x57: {  	_ =	shalt  }
0x58: {  	_ =	shalt  }
0x59: {  	_ =	shalt  }
0x5a: {  	_ =	shalt  }
0x5b: {  	_ =	shalt  }
0x5c: {  	_ =	shalt  }
0x5d: {  	_ =	shalt  }
0x5e: {  	_ =	shalt  }
0x5f: {  	_ =	shalt  }
0x60: {  	_ =	shalt  }
0x61: {  	_ =	shalt  }
0x62: {  	_ =	shalt  }
0x63: {  	_ =	shalt  }
0x64: {  	_ =	shalt  }
0x65: {  	_ =	shalt  }
0x66: {  	_ =	shalt  }
0x67: {  	_ =	shalt  }
0x68: {  	_ =	shalt  }
0x69: {  	_ =	shalt  }
0x6a: {  	_ =	shalt  }
0x6b: {  	_ =	shalt  }
0x6c: {  	_ =	shalt  }
0x6d: {  	_ =	shalt  }
0x6e: {  	_ =	shalt  }
0x6f: {  	_ =	shalt  }
0x70: {  	_ =	shalt  }
0x71: {  	_ =	shalt  }
0x72: {  	_ =	shalt  }
0x73: {  	_ =	shalt  }
0x74: {  	_ =	shalt  }
0x75: {  	_ =	shalt  }
0x76: {  	_ =	shalt  }
0x77: {  	_ =	shalt  }
0x78: {  	_ =	shalt  }
0x79: {  	_ =	shalt  }
0x7a: {  	_ =	shalt  }
0x7b: {  	_ =	shalt  }
0x7c: {  	_ =	shalt  }
0x7d: {  	_ =	shalt  }
0x7e: {  	_ =	shalt  }
0x7f: {  	_ =	shalt  }
0x80: {  	_ =	shalt  }
0x81: {  	_ =	shalt  }
0x82: {  	_ =	shalt  }
0x83: {  	_ =	shalt  }
0x84: {  	_ =	shalt  }
0x85: {  	_ =	shalt  }
0x86: {  	_ =	shalt  }
0x87: {  	_ =	shalt  }
.Lfunc_end0:
.L_simem_size_0:
called_computation_lowered:
.L_overlay_start_0:
0x88: {  	s2 =	sld [smem:$0x3FD9]  }
0x89: {  	s3 =	sld [smem:$0x3FFE];
	_ =	sdelay $0x1  }
0x8a: {  	s1 =	srdreg.scid  }
0x8b: {  	s0 =	sand.u32 $0x1, s1  }
0x8c: {  	s17 =	sshll.u32 s0, $0xA;
	s2 =	sadd.s32 s3, s2  }
0x8d: {  	s2 =	sadd.s32 s2, s17  }
0x8e: {  	[smem:$0x3FC2] =	sst s2  }
0x8f: {  	_ = 	snop  }
0x90: {  	s2 =	sld [smem:$0x3FD0];
	(tm) =	ssettm $0x1  }
0x91: {  	s18 =	sld [smem:$0x3FFB];
	_ =	sdelay $0x3  }
0x92: {  	_ =	strace s18  }
0x93: {  	s3 =	sld [smem:$0x3FFC];
	_ =	sdelay $0x3  }
0x94: {  	_ =	strace s3  }
0x95: {  	s3 =	sld [smem:$0x3FFD];
	_ =	sdelay $0x3  }
0x96: {  	_ =	strace s3  }
0x97: {  	_ =	strace $0x8FFFFFFF  }
0x98: {  	s19 =	sld [smem:$0x3FDB];
	_ =	sdelay $0x1  }
0x99: {  	s4 =	simm.s32 $_scs_section_size  }
0x9a: {  	s5 =	simm.s32 $_size__tile_overlayer_lowered;
	s6 =	simm.s32 $_tile_overlayer_lowered  }
0x9b: {  	s22 =	simm.s32 $0x1BFF;
	s21 =	sshll.u32 s6, $0x1;
	s3 =	sadd.s32 s4, s19  }
0x9c: {  	s7 =	simm.s32 $0x0;
	s20 =	sshll.u32 s5, $0x1;
	s5 =	sadd.s32 s21, s3  }
0x9d: {  	[timem:s7], [sflag:s22] =	dma.local [hbm:s5], s20  }
0x9e: {  	_ =	swait.ge [sflag:s22], s20  }
0x9f: {  	s4 =	ssub.s32 $0x0, s20;
	[sflag:s22] =	ssyncset.done $0x0  }
0xa0: {  	[sflag:s22] =	ssyncadd.s32 s4;
	_ =	sdelay $0x1  }
0xa1: {  	s23 =	simm.s32 $0x1B8B  }
0xa2: {  	_ =	swait.ge [sflag:s23], $0x1  }
0xa3: {  	[sflag:s23] =	ssyncset.done $0x0  }
0xa4: {  	s25 =	simm.s32 $0x1B8E;
	s24 =	sld [smem:$0x3FFE];
	[sflag:s23] =	ssyncadd.s32 $0xFFFFFFFF  }
0xa5: {  	s26 =	simm.s32 $execute0_lowered;
	[smem:$0x3FD2] =	sst s25  }
0xa6: {  	s5 =	sshll.u32 s26, $0x1;
	_ =	strace $0x80000046;
	[dreg:$0x1] =	wrdreg $0xFFFFFFFF  }
0xa7: {  	s28 =	simm.s32 $_size_execute0_lowered;
	s3 =	sadd.s32 s3, s5;
	[dreg:$0x0] =	wrdreg $0x0  }
0xa8: {  	s5 =	sshll.u32 s28, $0x1;
	[dreg:$0x2] =	wrdreg s3  }
0xa9: {  	[dreg:$0x3] =	wrdreg s5  }
0xaa: {  	[dreg:$0x4] =	wrdreg $0xC0  }
0xab: {  	_ =	task [dreg:s7], $0x5FFFF  }
0xac: {  	[dreg:$0x1] =	wrdreg $0xFFFFFFFF  }
0xad: {  	[dreg:$0x0] =	wrdreg $0x60  }
0xae: {  	[dreg:$0x2] =	wrdreg s24  }
0xaf: {  	[dreg:$0x3] =	wrdreg s2  }
0xb0: {  	[dreg:$0x4] =	wrdreg $0x9  }
0xb1: {  	_ =	task.clear_ibuf [dreg:s7], $0x5FFFF;
	_ =	strace $0x90000046  }
0xb2: {  	s29 =	simm.s32 $0x9;
	_ =	strace $0x80000048  }
0xb3: {  	_ =	swait.ge [sflag:s29], $0x1  }
0xb4: {  	[sflag:s29] =	ssyncadd.s32 $0xFFFFFFFF  }
0xb5: {  	_ =	strace $0x90000048  }
0xb6: {  	_ =	sfence  }
0xb7: {  	s30 =	sld [smem:$0x0];
	_ =	sdelay $0x2  }
0xb8: {  	s31 =	sshll.u32 s1, $0xD;
	s1 =	sshrl.u32 s1, $0x2  }
0xb9: {  	s3 =	sand.u32 $0x4000, s31;
	s1 =	sadd.s32 s1, s30  }
0xba: {  	s0 =	sor.u32 s3, s0;
	s1 =	sshll.u32 s1, $0x11  }
0xbb: {  	s0 =	sor.u32 s1, s0  }
0xbc: {  	s0 =	sadd.s32 $0x8F2B, s0  }
0xbd: {  	[sflag:s0] =	ssyncadd.remote.s32 $0x1  }
0xbe: {  	_ =	sfence.sel $0xFFFF  }
0xbf: {  	[dreg:$0x0] =	wrdreg $0xFFFFFFFF;
	(pc) =	sbr.abs _section_cstart, $3  }
0xc0: {  	[dreg:$0x1] =	wrdreg $0xFFFFFFFF  }
0xc1: {  	_ =	task.clear_ibuf [dreg:s7], $0x2FFFF;
	_ =	strace $0x9FFFFFFF  }
0xc2: {  	(tm) =	ssettm $0x7FFFFFFF  }
0xc3: {  	_ =	shalt  }
tec
execute0_lowered:
.L_overlay_start_1:
0x0: {  	(tag) =	ssettag $0x1  }
0x1: {  	s1 =	srdreg.scid;
	s6 =	rddreg [dreg:$0x0]  }
0x2: {  	s0 =	stileid.u32;
	s2 =	rddreg [dreg:$0x1];
	s11 =	simm.s32 $0x5  }
0x3: {  	s12 =	simm.s32 $0x6400;
	s13 =	simm.s32 $0x50;
	s14 =	simm.s32 $0xC800  }
0x4: {  	s15 =	simm.s32 $0x11800;
	s16 =	simm.s32 $0xF000;
	s17 =	simm.s32 $0x6450  }
0x5: {  	s18 =	simm.s32 $0x14000;
	s19 =	simm.s32 $0x1;
	s20 =	simm.s32 $0x16800  }
0x6: {  	s21 =	simm.s32 $0x2;
	s1 =	sand.u32 $0x1, s1;
	s3 =	sshll.u32 s0, $0x1  }
0x7: {  	s22 =	simm.s32 $0x19000;
	s23 =	simm.s32 $0x3;
	s4 =	sor.u32 s1, s3  }
0x8: {  	s24 =	simm.s32 $0x4;
	s3 =	simm.s32 $0x0;
	s4 =	smul.u32 $0x6400, s4  }
.Ltmp0:
0x9: {  	s1 =	ssub.s32 $0x2, s1;
	[smem:$0x7FF] =	sst s3;
	(pc) =	sbr.rel .LBB2_1-.Ltmp0, $4  }
0xa: {  	s25 =	simm.s32 $0x0;
	s7 =	sshrl.u32 s1, $0x1;
	_ =	strace $0x80000047  }
0xb: {  	s1 =	ssub.s32 s1, s7;
	s5 =	sshrl.u32 s4, $0x3;
	s9 =	sor.u32 $0x50, s4  }
0xc: {  	s10 =	smax.u32 s1, $0x1;
	s8 =	sadd.s32 s5, s6;
	s5 =	sadd.s32 $0x34E00, s6  }
0xd: {  	s6 =	sadd.s32 $0x32E00, s6;
	s7 =	sadd.s32 $0xE00, s8;
	s8 =	sadd.s32 $0x19E00, s8  }
.LBB2_8:
0xe: {  	s25 =	sadd.s32 $0x1, s25  }
0xf: {  	_ =	swait.ge [sflag:s23], $0x2800;
	p0 =	sne.s32 s25, s10  }
.Ltmp1:
0x10: {  	[sflag:s23] =	ssyncset.done $0x0;
	(pc) =	sbr.rel @!p0 .LBB2_9-.Ltmp1, $4  }
0x11: {  	[sflag:s23] =	ssyncadd.s32 $0xFFFFD800  }
0x12: {  	_ =	swait.ge [sflag:s24], $0x2800  }
0x13: {  	[sflag:s24] =	ssyncset.done $0x0  }
0x14: {  	[sflag:s24] =	ssyncadd.s32 $0xFFFFD800  }
.LBB2_1:
0x15: {  	[tilespmem:s3], [sflag:$0x5] =	stream.linear.gather [hbm4b:s7+s3], $0x6400, $0x38;
	[tilespmem:$0x1B800] =	vst v63  }
0x16: {  	_ =	swait.ge [sflag:s11], $0x6400  }
0x17: {  	[sflag:s11] =	ssyncset.done $0x0  }
0x18: {  	[sflag:s11] =	ssyncadd.s32 $0xFFFF9C00  }
0x19: {  	[tilespmem:s12], [sflag:$0x5] =	stream.linear.gather [hbm4b:s8+s3], $0x6400, $0x38;
	[tilespmem:$0x1B800] =	vst v63  }
0x1a: {  	_ =	swait.ge [sflag:s11], $0x6400  }
0x1b: {  	[sflag:s11] =	ssyncset.done $0x0  }
0x1c: {  	[sflag:s11] =	ssyncadd.s32 $0xFFFF9C00  }
0x1d: {  	[tilespmem:s14], [sflag:$0x1] =	stream.indirect.gather [hbm4b:s5+s13], $0x80, s3, s13, $0xb8;
	[tilespmem:$0x1B800] =	vst v63  }
0x1e: {  	_ = 	snop  }
0x1f: {  	[tilespmem:s15], [sflag:$0x1] =	stream.indirect.gather [hbm4b:s6+s13], $0x80, s12, s13, $0xb8;
	[tilespmem:$0x1B800] =	vst v63  }
0x20: {  	_ = 	snop  }
0x21: {  	[tilespmem:s16], [sflag:$0x2] =	stream.indirect.gather [hbm4b:s5+s13], $0x80, s13, s13, $0xb8;
	[tilespmem:$0x1B800] =	vst v63  }
0x22: {  	s26 =	simm.s32 $0x0  }
0x23: {  	[tilespmem:s18], [sflag:$0x2] =	stream.indirect.gather [hbm4b:s6+s13], $0x80, s17, s13, $0xb8;
	[tilespmem:$0x1B800] =	vst v63  }
.LBB2_2:
0x24: {  	_ =	swait.ge [sflag:s19], $0x2800  }
0x25: {  	[sflag:s19] =	ssyncset.done $0x0  }
0x26: {  	[sflag:s19] =	ssyncadd.s32 $0xFFFFD800  }
0x27: {  	_ =	swait.ge [sflag:s19], $0x2800  }
0x28: {  	p0 =	seq.s32 s26, $0x0;
	[sflag:s19] =	ssyncset.done $0x0  }
0x29: {  	s1 =	simm.s32 @!p0 $0x3;
	[sflag:s19] =	ssyncadd.s32 $0xFFFFD800  }
0x2a: {  	_ =	swait.ge @!p0 [sflag:s1], $0x2800  }
0x2b: {  	[sflag:s1] =	ssyncset.done @!p0 $0x0  }
0x2c: {  	s29 =	simm.s32 $0x0;
	[sflag:s1] =	ssyncadd.s32 @!p0 $0xFFFFD800  }
0x2d: {  	v0 =	vld [tilespmem:s29+$0xC870]  }
0x2e: {  	v1 =	vld [tilespmem:s29+$0x11870]  }
0x2f: {  	v2 =	vld [tilespmem:s29+$0xC800]  }
0x30: {  	v3 =	vld [tilespmem:s29+$0x11800]  }
0x31: {  	v4 =	vld [tilespmem:s29+$0xC810]  }
0x32: {  	v5 =	vld [tilespmem:s29+$0x11810]  }
0x33: {  	v6 =	vld [tilespmem:s29+$0xC820]  }
0x34: {  	v7 =	vld [tilespmem:s29+$0xC830]  }
0x35: {  	v0 =	vadd.f32 v1, v0;
	v1 =	vld [tilespmem:s29+$0x11820]  }
0x36: {  	v8 =	vld [tilespmem:s29+$0x11830]  }
0x37: {  	v9 =	vld [tilespmem:s29+$0x11840]  }
0x38: {  	[tilespmem:s29+$0x16870] =	vst v0;
	v0 =	vadd.f32 v5, v4;
	v5 =	vld [tilespmem:s29+$0xC840]  }
0x39: {  	v2 =	vadd.f32 v3, v2;
	v3 =	vld [tilespmem:s29+$0x11850]  }
0x3a: {  	[tilespmem:s29+$0x16810] =	vst v0;
	v0 =	vadd.f32 v1, v6;
	v1 =	vld [tilespmem:s29+$0xC850]  }
0x3b: {  	s28 =	smul.u32 $0xA0, s26;
	[tilespmem:s29+$0x16800] =	vst v2;
	v4 =	vld [tilespmem:s29+$0x11860];
	v6 =	vadd.f32 v8, v7  }
0x3c: {  	s31 =	simm.s32 $0x80;
	[tilespmem:s29+$0x16820] =	vst v0;
	v0 =	vld [tilespmem:s29+$0xC860]  }
0x3d: {  	s30 =	sadd.s32 s4, s28;
	s1 =	simm.s32 $0x400;
	v5 =	vadd.f32 v9, v5;
	v2 =	vld [tilespmem:s31+$0xC870];
	[tilespmem:s29+$0x16830] =	vst v6  }
.LBB2_3:
0x3e: {  	p1 =	sne.s32 s1, $0x9E00;
	v6 =	vld [tilespmem:s31+$0x11870]  }
0x3f: {  	v7 =	vld [tilespmem:s31+$0xC800];
	[tilespmem:s29+$0x16840] =	vst v5;
	v1 =	vadd.f32 v3, v1  }
0x40: {  	v3 =	vld [tilespmem:s31+$0x11800]  }
0x41: {  	v5 =	vld [tilespmem:s31+$0xC810];
	[tilespmem:s29+$0x16850] =	vst v1;
	v0 =	vadd.f32 v4, v0  }
0x42: {  	v1 =	vld [tilespmem:s31+$0x11810]  }
0x43: {  	v4 =	vld [tilespmem:s31+$0xC820];
	v2 =	vadd.f32 v6, v2;
	[tilespmem:s29+$0x16860] =	vst v0;
	s29 =	smov.u32 s31  }
0x44: {  	v0 =	vld [tilespmem:s29+$0x11820]  }
0x45: {  	v3 =	vadd.f32 v3, v7;
	v6 =	vld [tilespmem:s29+$0xC830];
	[tilespmem:s29+$0x16870] =	vst v2  }
0x46: {  	v2 =	vld [tilespmem:s29+$0x11830]  }
0x47: {  	[tilespmem:s29+$0x16800] =	vst v3;
	v1 =	vadd.f32 v1, v5;
	v5 =	vld [tilespmem:s29+$0xC840]  }
0x48: {  	v7 =	vld [tilespmem:s29+$0x11840]  }
.Ltmp2:
0x49: {  	[tilespmem:s29+$0x16810] =	vst v1;
	v0 =	vadd.f32 v0, v4;
	v1 =	vld [tilespmem:s29+$0xC850];
	(pc) =	sbr.rel @p1 .LBB2_3-.Ltmp2, $4  }
0x4a: {  	v3 =	vld [tilespmem:s29+$0x11850]  }
0x4b: {  	[tilespmem:s29+$0x16820] =	vst v0;
	v6 =	vadd.f32 v2, v6;
	v0 =	vld [tilespmem:s29+$0xC860]  }
0x4c: {  	s31 =	sshra.s32 s1, $0x2;
	v4 =	vld [tilespmem:s29+$0x11860]  }
0x4d: {  	s1 =	sadd.s32 $0x200, s1;
	v2 =	vld [tilespmem:s31+$0xC870];
	[tilespmem:s29+$0x16830] =	vst v6;
	v5 =	vadd.f32 v7, v5  }
0x4e: {  	v6 =	vld [tilespmem:s31+$0x11870]  }
0x4f: {  	v7 =	vld [tilespmem:s31+$0xC800];
	[tilespmem:s29+$0x16840] =	vst v5;
	v1 =	vadd.f32 v3, v1  }
0x50: {  	v3 =	vld [tilespmem:s31+$0x11800]  }
0x51: {  	v5 =	vld [tilespmem:s31+$0xC810];
	[tilespmem:s29+$0x16850] =	vst v1;
	v0 =	vadd.f32 v4, v0  }
0x52: {  	v1 =	vld [tilespmem:s31+$0x11810]  }
0x53: {  	v4 =	vld [tilespmem:s31+$0xC820];
	[tilespmem:s29+$0x16860] =	vst v0  }
0x54: {  	v0 =	vadd.f32 v6, v2;
	v2 =	vld [tilespmem:s31+$0x11820]  }
0x55: {  	v6 =	vld [tilespmem:s31+$0xC830]  }
0x56: {  	v3 =	vadd.f32 v3, v7;
	[tilespmem:s31+$0x16870] =	vst v0;
	v0 =	vld [tilespmem:s31+$0x11830]  }
0x57: {  	v7 =	vld [tilespmem:s31+$0x11860]  }
0x58: {  	[tilespmem:s31+$0x16800] =	vst v3;
	v1 =	vadd.f32 v1, v5;
	v3 =	vld [tilespmem:s31+$0xC840]  }
0x59: {  	v5 =	vld [tilespmem:s31+$0x11840]  }
0x5a: {  	[tilespmem:s31+$0x16810] =	vst v1;
	v1 =	vadd.f32 v2, v4;
	v2 =	vld [tilespmem:s31+$0xC850]  }
0x5b: {  	v4 =	vld [tilespmem:s31+$0x11850]  }
0x5c: {  	[tilespmem:s31+$0x16820] =	vst v1;
	v1 =	vld [tilespmem:s31+$0xC860];
	_ =	sdelay $0x1  }
0x5d: {  	v0 =	vadd.f32 v0, v6  }
0x5e: {  	v3 =	vadd.f32 v5, v3  }
0x5f: {  	[tilespmem:s31+$0x16830] =	vst v0;
	v0 =	vadd.f32 v4, v2  }
0x60: {  	[tilespmem:s31+$0x16840] =	vst v3;
	v1 =	vadd.f32 v7, v1  }
0x61: {  	s1 =	sshll.u32 s30, $0x4;
	[tilespmem:s31+$0x16850] =	vst v0  }
0x62: {  	p1 =	seq.s32 s26, $0x9F;
	s1 =	sadd.s32 s2, s1;
	[tilespmem:s31+$0x16860] =	vst v1  }
0x63: {  	[hbm4b:s1+s3] =	stream.linear.scatter [tilespmem:s20], [sflag:$0x3], $0x2800, $0x38;
	[tilespmem:$0x1B800] =	vst v63  }
0x64: {  	s30 =	simm.s32 @!p1 $0xC800;
	s29 =	simm.s32 @!p1 $0x50;
	s1 =	sadd.s32 @!p1 $0xA0, s28  }
0x65: {  	[tilespmem:s30], [sflag:$0x1] =	stream.indirect.gather @!p1 [hbm4b:s5+s29], $0x80, s1, s29, $0xb8;
	[tilespmem:$0x1B800] =	vst v63  }
0x66: {  	s1 =	sadd.s32 @!p1 $0x64A0, s28;
	s30 =	simm.s32 @!p1 $0x11800  }
0x67: {  	[tilespmem:s30], [sflag:$0x1] =	stream.indirect.gather @!p1 [hbm4b:s6+s29], $0x80, s1, s29, $0xb8;
	[tilespmem:$0x1B800] =	vst v63  }
0x68: {  	_ =	swait.ge [sflag:s21], $0x2800  }
0x69: {  	[sflag:s21] =	ssyncset.done $0x0  }
0x6a: {  	[sflag:s21] =	ssyncadd.s32 $0xFFFFD800  }
0x6b: {  	_ =	swait.ge [sflag:s21], $0x2800  }
0x6c: {  	[sflag:s21] =	ssyncset.done $0x0  }
0x6d: {  	s1 =	simm.s32 @!p0 $0x4;
	[sflag:s21] =	ssyncadd.s32 $0xFFFFD800  }
0x6e: {  	_ =	swait.ge @!p0 [sflag:s1], $0x2800  }
0x6f: {  	[sflag:s1] =	ssyncset.done @!p0 $0x0  }
0x70: {  	s29 =	simm.s32 $0x0;
	[sflag:s1] =	ssyncadd.s32 @!p0 $0xFFFFD800  }
0x71: {  	v0 =	vld [tilespmem:s29+$0xF070]  }
0x72: {  	v1 =	vld [tilespmem:s29+$0x14070]  }
0x73: {  	v2 =	vld [tilespmem:s29+$0xF000]  }
0x74: {  	v3 =	vld [tilespmem:s29+$0x14000]  }
0x75: {  	v4 =	vld [tilespmem:s29+$0xF010]  }
0x76: {  	v5 =	vld [tilespmem:s29+$0x14010]  }
0x77: {  	v6 =	vld [tilespmem:s29+$0xF020]  }
0x78: {  	v7 =	vld [tilespmem:s29+$0xF030]  }
0x79: {  	v0 =	vadd.f32 v1, v0;
	v1 =	vld [tilespmem:s29+$0x14020]  }
0x7a: {  	v8 =	vld [tilespmem:s29+$0x14030]  }
0x7b: {  	v9 =	vld [tilespmem:s29+$0x14040];
	v2 =	vadd.f32 v3, v2  }
0x7c: {  	[tilespmem:s29+$0x19070] =	vst v0;
	v0 =	vadd.f32 v5, v4;
	v5 =	vld [tilespmem:s29+$0xF040]  }
0x7d: {  	v3 =	vld [tilespmem:s29+$0x14050];
	[tilespmem:s29+$0x19000] =	vst v2  }
0x7e: {  	v2 =	vld [tilespmem:s29+$0xF050];
	[tilespmem:s29+$0x19010] =	vst v0;
	v0 =	vadd.f32 v1, v6  }
0x7f: {  	v4 =	vld [tilespmem:s29+$0x14060];
	v6 =	vadd.f32 v8, v7  }
0x80: {  	s31 =	simm.s32 $0x80;
	[tilespmem:s29+$0x19020] =	vst v0;
	v0 =	vld [tilespmem:s29+$0xF060]  }
0x81: {  	s30 =	sadd.s32 s28, s9;
	s1 =	simm.s32 $0x400;
	v5 =	vadd.f32 v9, v5;
	v1 =	vld [tilespmem:s31+$0xF070];
	[tilespmem:s29+$0x19030] =	vst v6  }
.LBB2_5:
0x82: {  	p0 =	sne.s32 s1, $0x9E00;
	v6 =	vld [tilespmem:s31+$0x14070]  }
0x83: {  	v7 =	vld [tilespmem:s31+$0xF000];
	[tilespmem:s29+$0x19040] =	vst v5;
	v2 =	vadd.f32 v3, v2  }
0x84: {  	v3 =	vld [tilespmem:s31+$0x14000]  }
0x85: {  	v5 =	vld [tilespmem:s31+$0xF010];
	[tilespmem:s29+$0x19050] =	vst v2;
	v0 =	vadd.f32 v4, v0  }
0x86: {  	v2 =	vld [tilespmem:s31+$0x14010]  }
0x87: {  	v4 =	vld [tilespmem:s31+$0xF020];
	v1 =	vadd.f32 v6, v1;
	[tilespmem:s29+$0x19060] =	vst v0;
	s29 =	smov.u32 s31  }
0x88: {  	v0 =	vld [tilespmem:s29+$0x14020]  }
0x89: {  	v3 =	vadd.f32 v3, v7;
	v6 =	vld [tilespmem:s29+$0xF030];
	[tilespmem:s29+$0x19070] =	vst v1  }
0x8a: {  	v1 =	vld [tilespmem:s29+$0x14030]  }
0x8b: {  	[tilespmem:s29+$0x19000] =	vst v3;
	v2 =	vadd.f32 v2, v5;
	v5 =	vld [tilespmem:s29+$0xF040]  }
0x8c: {  	v7 =	vld [tilespmem:s29+$0x14040]  }
.Ltmp3:
0x8d: {  	[tilespmem:s29+$0x19010] =	vst v2;
	v0 =	vadd.f32 v0, v4;
	v2 =	vld [tilespmem:s29+$0xF050];
	(pc) =	sbr.rel @p0 .LBB2_5-.Ltmp3, $4  }
0x8e: {  	v3 =	vld [tilespmem:s29+$0x14050]  }
0x8f: {  	[tilespmem:s29+$0x19020] =	vst v0;
	v6 =	vadd.f32 v1, v6;
	v0 =	vld [tilespmem:s29+$0xF060]  }
0x90: {  	s31 =	sshra.s32 s1, $0x2;
	v4 =	vld [tilespmem:s29+$0x14060]  }
0x91: {  	s1 =	sadd.s32 $0x200, s1;
	v1 =	vld [tilespmem:s31+$0xF070];
	[tilespmem:s29+$0x19030] =	vst v6;
	v5 =	vadd.f32 v7, v5  }
0x92: {  	v6 =	vld [tilespmem:s31+$0x14070]  }
0x93: {  	v7 =	vld [tilespmem:s31+$0xF000];
	[tilespmem:s29+$0x19040] =	vst v5;
	v2 =	vadd.f32 v3, v2  }
0x94: {  	v51 =	vld [tilespmem:s31+$0x14000]  }
0x95: {  	v5 =	vld [tilespmem:s31+$0xF010];
	[tilespmem:s29+$0x19050] =	vst v2;
	v0 =	vadd.f32 v4, v0  }
0x96: {  	v2 =	vld [tilespmem:s31+$0x14010]  }
0x97: {  	v52 =	vld [tilespmem:s31+$0xF020];
	[tilespmem:s29+$0x19060] =	vst v0  }
0x98: {  	v54 =	vld [tilespmem:s31+$0x14020]  }
0x99: {  	v55 =	vld [tilespmem:s31+$0xF030]  }
0x9a: {  	v56 =	vld [tilespmem:s31+$0x14030]  }
0x9b: {  	v57 =	vld [tilespmem:s31+$0xF040]  }
0x9c: {  	v58 =	vld [tilespmem:s31+$0x14040]  }
0x9d: {  	v59 =	vld [tilespmem:s31+$0xF050]  }
0x9e: {  	v53 =	vadd.f32 v6, v1;
	v60 =	vld [tilespmem:s31+$0x14050]  }
0x9f: {  	v61 =	vld [tilespmem:s31+$0xF060];
	v3 =	vadd.f32 v51, v7  }
0xa0: {  	v62 =	vld [tilespmem:s31+$0x14060];
	[tilespmem:s31+$0x19070] =	vst v53;
	v2 =	vadd.f32 v2, v5  }
0xa1: {  	[tilespmem:s31+$0x19000] =	vst v3;
	v1 =	vadd.f32 v54, v52  }
0xa2: {  	[tilespmem:s31+$0x19010] =	vst v2;
	v0 =	vadd.f32 v56, v55  }
0xa3: {  	v3 =	vadd.f32 v58, v57;
	[tilespmem:s31+$0x19020] =	vst v1  }
.Ltmp4:
0xa4: {  	v63 =	vadd.f32 v60, v59;
	[tilespmem:s31+$0x19030] =	vst v0;
	(pc) =	sbr.rel @p1 .LBB2_8-.Ltmp4, $4  }
0xa5: {  	[tilespmem:s31+$0x19040] =	vst v3;
	v1 =	vadd.f32 v62, v61  }
0xa6: {  	s1 =	sshll.u32 s30, $0x4;
	[tilespmem:s31+$0x19050] =	vst v63  }
0xa7: {  	s1 =	sadd.s32 s2, s1;
	[tilespmem:s31+$0x19060] =	vst v1  }
0xa8: {  	[hbm4b:s1+s3] =	stream.linear.scatter [tilespmem:s22], [sflag:$0x4], $0x2800, $0x38;
	[tilespmem:$0x1B800] =	vst v63  }
.Ltmp5:
0xa9: {  	(pc) =	sbr.rel .LBB2_2-.Ltmp5, $4  }
0xaa: {  	s1 =	sadd.s32 $0xF0, s28  }
0xab: {  	[tilespmem:s16], [sflag:$0x2] =	stream.indirect.gather [hbm4b:s5+s13], $0x80, s1, s13, $0xb8;
	[tilespmem:$0x1B800] =	vst v63  }
0xac: {  	s31 =	sadd.s32 $0x64F0, s28;
	s26 =	sadd.s32 $0x1, s26  }
0xad: {  	[tilespmem:s18], [sflag:$0x2] =	stream.indirect.gather [hbm4b:s6+s13], $0x80, s31, s13, $0xb8;
	[tilespmem:$0x1B800] =	vst v63  }
.LBB2_9:
0xae: {  	_ =	sfence.sel $0x180000  }
0xaf: {  	[bflag:$0x0] =	sbarrier.arrive $0xFFFF  }
0xb0: {  	_ =	strace $0x90000047  }
0xb1: {  	[bflag:$0x2] =	sbarrier.arrive $0xFFFF  }
0xb2: {  	p0 =	sne.s32 s0, $0x0;
	s0 =	rddreg [dreg:$0x2]  }
0xb3: {  	s0 =	sadd.s32 @!p0 $0x100000, s0  }
0xb4: {  	[sflag:s0] =	ssyncadd.tile.s32 @!p0 $0x1;
	_ =	shalt  }
.Lfunc_end2:
_tile_overlayer_lowered:
.L_overlay_start_2:
0xb5: {  	(tag) =	ssettag $0x2  }
0xb6: {  	s0 =	rddreg [dreg:$0x0];
	s2 =	stileid.u32  }
0xb7: {  	s1 =	rddreg [dreg:$0x1];
	p0 =	sne.s32 s2, $0x0  }
0xb8: {  	s3 =	rddreg [dreg:$0x2];
	[bflag:$0x3] =	sbarrier.arrive $0xFFFF;
	s2 =	simm.s32 @!p0 $0x1C05  }
0xb9: {  	[timem:s3], [sflag:s2] =	dma.local @!p0 [hbm:s0], s1  }
0xba: {  	s0 =	simm.s32 @!p0 $0x5  }
0xbb: {  	_ =	swait.ge @!p0 [sflag:s0], s1  }
0xbc: {  	s1 =	ssub.s32 @!p0 $0x0, s1;
	[sflag:s0] =	ssyncset.done @!p0 $0x0  }
0xbd: {  	[sflag:s0] =	ssyncadd.s32 @!p0 s1  }
0xbe: {  	[bflag:$0x3] =	sbarrier.arrive $0xFFFF  }
0xbf: {  	_ =	shalt  }

</sc_bundles>
